<compile_context>
chip_gen: v7x
topology: tpu7x:2x2x1
jax: 0.10.2.dev20260603
libtpu: 0.0.44.dev20260713+nightly
codegen_flags: <defaults>
</compile_context>

<pallas_src>
import functools

import jax
import jax.numpy as jnp
from jax import lax
from jax.experimental import pallas as pl
from jax.experimental.pallas import tpu as pltpu
from jax.experimental.pallas import tpu_sc as plsc

_NC, _NS, _L = 2, 16, 16
_NW = _NC * _NS

_E = 320000
_D = 128
_PER_W = _E // _NW
_CHUNK = 80
_NBUF = 5
_STEP = _CHUNK * _NBUF
_NREV = _PER_W // _STEP
_NCHUNKS = _PER_W // _CHUNK


def _dot_link_sc(hp, src_idx, dst_idx):
    mesh = plsc.VectorSubcoreMesh(core_axis_name="c", subcore_axis_name="s")

    row_bufs = [pltpu.VMEM((_CHUNK, _D // 2), jnp.int32)
                for _ in range(2 * _NBUF)]

    @functools.partial(
        pl.kernel,
        mesh=mesh,
        compiler_params=pltpu.CompilerParams(needs_layout_passes=False,
                                             use_tc_tiling_on_sc=False),
        out_type=jax.ShapeDtypeStruct((_E,), jnp.float32),
        scratch_types=[
            pltpu.VMEM((_PER_W,), jnp.int32),
            pltpu.VMEM((_PER_W,), jnp.int32),
            *row_bufs,
            pltpu.VMEM((2 * _STEP,), jnp.float32),
            *[pltpu.SemaphoreType.DMA for _ in range(2 * _NBUF + 1)],
        ],
    )
    def k(h_hbm, sidx_hbm, didx_hbm, out_hbm, *refs):
        sidx_v, didx_v = refs[0], refs[1]
        sbufs = refs[2:2 + _NBUF]
        dbufs = refs[2 + _NBUF:2 + 2 * _NBUF]
        out_v = refs[2 + 2 * _NBUF]
        ssems = refs[3 + 2 * _NBUF:3 + 3 * _NBUF]
        dsems = refs[3 + 3 * _NBUF:3 + 4 * _NBUF]
        osem = refs[3 + 4 * _NBUF]

        wid = lax.axis_index("s") * _NC + lax.axis_index("c")
        base = wid * _PER_W

        pltpu.sync_copy(sidx_hbm.at[pl.ds(base, _PER_W)], sidx_v)
        pltpu.sync_copy(didx_hbm.at[pl.ds(base, _PER_W)], didx_v)

        def fire(b, c):
            off = pl.multiple_of(c * _CHUNK, 8)
            pltpu.async_copy(h_hbm.at[sidx_v.at[pl.ds(off, _CHUNK)]],
                             sbufs[b], ssems[b])
            pltpu.async_copy(h_hbm.at[didx_v.at[pl.ds(off, _CHUNK)]],
                             dbufs[b], dsems[b])

        def drain(b, c):
            off = pl.multiple_of(c * _CHUNK, 8)
            pltpu.make_async_copy(h_hbm.at[sidx_v.at[pl.ds(off, _CHUNK)]],
                                  sbufs[b], ssems[b]).wait()
            pltpu.make_async_copy(h_hbm.at[didx_v.at[pl.ds(off, _CHUNK)]],
                                  dbufs[b], dsems[b]).wait()

        lane = lax.iota(jnp.int32, _L)

        def compute(b, half):
            sb, db = sbufs[b], dbufs[b]

            @plsc.parallel_loop(0, _CHUNK // _L)
            def group_body(g):
                @plsc.parallel_loop(0, _L, unroll=4,
                                    carry=jnp.zeros((_L,), jnp.float32))
                def edge_body(kk, acc):
                    e = g * _L + kk
                    s = None
                    for j in range(_D // (2 * _L)):
                        sv = plsc.bitcast(sb[e, pl.ds(j * _L, _L)],
                                          jnp.bfloat16)
                        dv = plsc.bitcast(db[e, pl.ds(j * _L, _L)],
                                          jnp.bfloat16)
                        lo, hi = plsc.unpack(
                            sv * dv, format=plsc.PackFormat.INTERLEAVED,
                            preferred_element_type=jnp.float32)
                        t = lo + hi
                        s = t if s is None else s + t
                    return jnp.where(lane == kk, jnp.sum(s), acc)

                out_v[pl.ds(half + b * _CHUNK + g * _L, _L)] = edge_body

        for b in range(_NBUF):
            fire(b, b)

        def out_slices(i):
            half = pl.multiple_of((i % 2) * _STEP, 8)
            dst = out_hbm.at[pl.ds(pl.multiple_of(base + i * _STEP, 8), _STEP)]
            return half, out_v.at[pl.ds(half, _STEP)], dst

        def outer(i, carry):
            c0 = i * _NBUF
            half, src, dst = out_slices(i)

            @pl.when(i >= 2)
            def _():
                pltpu.make_async_copy(src, dst, osem).wait()

            for b in range(_NBUF):
                drain(b, c0 + b)
                compute(b, half)

                @pl.when(c0 + b + _NBUF < _NCHUNKS)
                def _():
                    fire(b, c0 + b + _NBUF)

            pltpu.async_copy(src, dst, osem)
            return carry

        lax.fori_loop(0, _NREV, outer, 0)

        for i_tail in (_NREV - 2, _NREV - 1):
            _, src, dst = out_slices(i_tail)
            pltpu.make_async_copy(src, dst, osem).wait()

    return k(hp, src_idx, dst_idx)


def kernel(h, src_idx, dst_idx):
    r = jax.lax.bitcast_convert_type(h, jnp.uint32)
    rnd = (r + 0x7FFF + ((r >> 16) & 1)) >> 16
    hp = jax.lax.bitcast_convert_type(
        rnd[:, :_D // 2] | (rnd[:, _D // 2:] << 16), jnp.int32)
    return _dot_link_sc(hp,
                        src_idx.astype(jnp.int32),
                        dst_idx.astype(jnp.int32))

# --- scband reference (transcript-rebuilt; emitter-appended) ---
"""Pipeline reference for scband-dot-link-predictor-89000312307815 (READ-ONLY COPY).

The authoritative reference and input builder live on the scoring server;
editing this copy changes nothing except your own understanding.
"""

import jax, jax.numpy as jnp
import numpy as np


def setup_inputs(seed: int = 0) -> dict:
    key = jax.random.key(seed)
    k_h, k_src, k_dst = jax.random.split(key, 3)
    h = jax.random.normal(k_h, (10000, 128), dtype=jnp.float32)
    src_idx = jax.random.randint(k_src, (320000,), 0, 10000, dtype=jnp.int64 if jax.config.jax_enable_x64 else jnp.int32)
    dst_idx = jax.random.randint(k_dst, (320000,), 0, 10000, dtype=jnp.int64 if jax.config.jax_enable_x64 else jnp.int32)
    return {"h": h, "src_idx": src_idx, "dst_idx": dst_idx}


def reference(h, src_idx, dst_idx):
    # DotLinkPredictor.forward: (h[src_idx] * h[dst_idx]).sum(dim=-1)
    h_src = jnp.take(h, src_idx, axis=0)
    h_dst = jnp.take(h, dst_idx, axis=0)
    return jnp.sum(h_src * h_dst, axis=-1)

if __name__ == "__main__":
    import jax
    _d = setup_inputs()
    print(jax.jit(kernel)(*tuple(_d.values())))

</pallas_src>

<mosaic_0001>
#map = affine_map<(d0, d1) -> (0, 0)>
#map1 = affine_map<(d0, d1) -> (0)>
module attributes {stable_mosaic.version = 14 : i64} {
  func.func @k(%arg0: i32, %arg1: i32, %arg2: memref<10000x64xi32, #tpu.memory_space<hbm>>, %arg3: memref<320000xi32, #tpu.memory_space<hbm>>, %arg4: memref<320000xi32, #tpu.memory_space<hbm>>, %arg5: memref<320000xf32, #tpu.memory_space<hbm>>, %arg6: memref<10000xi32, #tpu.memory_space<vmem>>, %arg7: memref<10000xi32, #tpu.memory_space<vmem>>, %arg8: memref<80x64xi32, #tpu.memory_space<vmem>>, %arg9: memref<80x64xi32, #tpu.memory_space<vmem>>, %arg10: memref<80x64xi32, #tpu.memory_space<vmem>>, %arg11: memref<80x64xi32, #tpu.memory_space<vmem>>, %arg12: memref<80x64xi32, #tpu.memory_space<vmem>>, %arg13: memref<80x64xi32, #tpu.memory_space<vmem>>, %arg14: memref<80x64xi32, #tpu.memory_space<vmem>>, %arg15: memref<80x64xi32, #tpu.memory_space<vmem>>, %arg16: memref<80x64xi32, #tpu.memory_space<vmem>>, %arg17: memref<80x64xi32, #tpu.memory_space<vmem>>, %arg18: memref<800xf32, #tpu.memory_space<vmem>>, %arg19: memref<!tpu.dma_semaphore, #tpu.memory_space<semaphore_mem>>, %arg20: memref<!tpu.dma_semaphore, #tpu.memory_space<semaphore_mem>>, %arg21: memref<!tpu.dma_semaphore, #tpu.memory_space<semaphore_mem>>, %arg22: memref<!tpu.dma_semaphore, #tpu.memory_space<semaphore_mem>>, %arg23: memref<!tpu.dma_semaphore, #tpu.memory_space<semaphore_mem>>, %arg24: memref<!tpu.dma_semaphore, #tpu.memory_space<semaphore_mem>>, %arg25: memref<!tpu.dma_semaphore, #tpu.memory_space<semaphore_mem>>, %arg26: memref<!tpu.dma_semaphore, #tpu.memory_space<semaphore_mem>>, %arg27: memref<!tpu.dma_semaphore, #tpu.memory_space<semaphore_mem>>, %arg28: memref<!tpu.dma_semaphore, #tpu.memory_space<semaphore_mem>>, %arg29: memref<!tpu.dma_semaphore, #tpu.memory_space<semaphore_mem>>) attributes {dimension_semantics = [#tpu.dimension_semantics<core_parallel>, #tpu.dimension_semantics<subcore_parallel>], iteration_bounds = array<i64: 2, 16>, scalar_prefetch = 0 : i64, scratch_operands = 24 : i64, tpu.core_type = #tpu.core_type<sc_vector_subcore>, window_params = [{transform_indices = #map}, {transform_indices = #map1}, {transform_indices = #map1}, {transform_indices = #map1}]} {
    %mul3A = arith.constant 2 : i32
    %mul3A_0 = arith.muli %arg1, %mul3A : i32
    %add3A = arith.addi %mul3A_0, %arg0 : i32
    %mul3A_1 = arith.constant 10000 : i32
    %mul3A_2 = arith.muli %add3A, %mul3A_1 : i32
    "tpu.region"() ({
      %run_scoped3A = tpu.sem_alloc : memref<!tpu.dma_semaphore, #tpu.memory_space<semaphore_mem>>
      %dma_start3A_73 = tpu.memref_slice %arg3[%mul3A_2] : memref<320000xi32, #tpu.memory_space<hbm>> -> memref<10000xi32, #tpu.memory_space<hbm>>
      %dma_start3A_74 = tpu.memref_slice %arg3[%mul3A_2] : memref<320000xi32, #tpu.memory_space<hbm>> -> memref<10000xi32, #tpu.memory_space<hbm>>
      tpu.enqueue_dma source(%dma_start3A_74 : memref<10000xi32, #tpu.memory_space<hbm>>) target(%arg6 : memref<10000xi32, #tpu.memory_space<vmem>>) target_semaphore(%run_scoped3A : memref<!tpu.dma_semaphore, #tpu.memory_space<semaphore_mem>>)
      %dma_wait3A_75 = tpu.memref_slice %arg3[%mul3A_2] : memref<320000xi32, #tpu.memory_space<hbm>> -> memref<10000xi32, #tpu.memory_space<hbm>>
      %dma_wait3A_76 = tpu.memref_slice %arg3[%mul3A_2] : memref<320000xi32, #tpu.memory_space<hbm>> -> memref<10000xi32, #tpu.memory_space<hbm>>
      tpu.wait_dma2 semaphore(%run_scoped3A : memref<!tpu.dma_semaphore, #tpu.memory_space<semaphore_mem>>) src(%dma_wait3A_76 : memref<10000xi32, #tpu.memory_space<hbm>>) dst(%arg6 : memref<10000xi32, #tpu.memory_space<vmem>>)
      tpu.yield
    }) : () -> ()
    "tpu.region"() ({
      %run_scoped3A = tpu.sem_alloc : memref<!tpu.dma_semaphore, #tpu.memory_space<semaphore_mem>>
      %dma_start3A_73 = tpu.memref_slice %arg4[%mul3A_2] : memref<320000xi32, #tpu.memory_space<hbm>> -> memref<10000xi32, #tpu.memory_space<hbm>>
      %dma_start3A_74 = tpu.memref_slice %arg4[%mul3A_2] : memref<320000xi32, #tpu.memory_space<hbm>> -> memref<10000xi32, #tpu.memory_space<hbm>>
      tpu.enqueue_dma source(%dma_start3A_74 : memref<10000xi32, #tpu.memory_space<hbm>>) target(%arg7 : memref<10000xi32, #tpu.memory_space<vmem>>) target_semaphore(%run_scoped3A : memref<!tpu.dma_semaphore, #tpu.memory_space<semaphore_mem>>)
      %dma_wait3A_75 = tpu.memref_slice %arg4[%mul3A_2] : memref<320000xi32, #tpu.memory_space<hbm>> -> memref<10000xi32, #tpu.memory_space<hbm>>
      %dma_wait3A_76 = tpu.memref_slice %arg4[%mul3A_2] : memref<320000xi32, #tpu.memory_space<hbm>> -> memref<10000xi32, #tpu.memory_space<hbm>>
      tpu.wait_dma2 semaphore(%run_scoped3A : memref<!tpu.dma_semaphore, #tpu.memory_space<semaphore_mem>>) src(%dma_wait3A_76 : memref<10000xi32, #tpu.memory_space<hbm>>) dst(%arg7 : memref<10000xi32, #tpu.memory_space<vmem>>)
      tpu.yield
    }) : () -> ()
    %iota3A = tpu.iota {dimensions = array<i32: 0>} : vector<16xi32>
    %multiple_of3A = arith.constant 0 : i32
    %multiple_of3A_3 = tpu.assume_multiple %multiple_of3A, 8 : i32
    %dma_start3A = tpu.memref_slice %arg6[%multiple_of3A_3] : memref<10000xi32, #tpu.memory_space<vmem>> -> memref<80xi32, #tpu.memory_space<vmem>>
    %dma_start3A_4 = arith.constant 0 : i32
    %dma_start3A_5 = arith.constant 0 : i32
    %dma_start3A_6 = tpu.memref_slice %arg2[%dma_start3A_4, %dma_start3A_5] : memref<10000x64xi32, #tpu.memory_space<hbm>> -> memref<10000x64xi32, #tpu.memory_space<hbm>>
    tpu.enqueue_indirect_dma source(%dma_start3A_6 : memref<10000x64xi32, #tpu.memory_space<hbm>>) target(%arg8 : memref<80x64xi32, #tpu.memory_space<vmem>>) offsets(%dma_start3A : memref<80xi32, #tpu.memory_space<vmem>>) semaphore(%arg19 : memref<!tpu.dma_semaphore, #tpu.memory_space<semaphore_mem>>)
    %dma_start3A_7 = tpu.memref_slice %arg7[%multiple_of3A_3] : memref<10000xi32, #tpu.memory_space<vmem>> -> memref<80xi32, #tpu.memory_space<vmem>>
    %dma_start3A_8 = arith.constant 0 : i32
    %dma_start3A_9 = arith.constant 0 : i32
    %dma_start3A_10 = tpu.memref_slice %arg2[%dma_start3A_8, %dma_start3A_9] : memref<10000x64xi32, #tpu.memory_space<hbm>> -> memref<10000x64xi32, #tpu.memory_space<hbm>>
    tpu.enqueue_indirect_dma source(%dma_start3A_10 : memref<10000x64xi32, #tpu.memory_space<hbm>>) target(%arg13 : memref<80x64xi32, #tpu.memory_space<vmem>>) offsets(%dma_start3A_7 : memref<80xi32, #tpu.memory_space<vmem>>) semaphore(%arg24 : memref<!tpu.dma_semaphore, #tpu.memory_space<semaphore_mem>>)
    %multiple_of3A_11 = arith.constant 80 : i32
    %multiple_of3A_12 = tpu.assume_multiple %multiple_of3A_11, 8 : i32
    %dma_start3A_13 = tpu.memref_slice %arg6[%multiple_of3A_12] : memref<10000xi32, #tpu.memory_space<vmem>> -> memref<80xi32, #tpu.memory_space<vmem>>
    %dma_start3A_14 = arith.constant 0 : i32
    %dma_start3A_15 = arith.constant 0 : i32
    %dma_start3A_16 = tpu.memref_slice %arg2[%dma_start3A_14, %dma_start3A_15] : memref<10000x64xi32, #tpu.memory_space<hbm>> -> memref<10000x64xi32, #tpu.memory_space<hbm>>
    tpu.enqueue_indirect_dma source(%dma_start3A_16 : memref<10000x64xi32, #tpu.memory_space<hbm>>) target(%arg9 : memref<80x64xi32, #tpu.memory_space<vmem>>) offsets(%dma_start3A_13 : memref<80xi32, #tpu.memory_space<vmem>>) semaphore(%arg20 : memref<!tpu.dma_semaphore, #tpu.memory_space<semaphore_mem>>)
    %dma_start3A_17 = tpu.memref_slice %arg7[%multiple_of3A_12] : memref<10000xi32, #tpu.memory_space<vmem>> -> memref<80xi32, #tpu.memory_space<vmem>>
    %dma_start3A_18 = arith.constant 0 : i32
    %dma_start3A_19 = arith.constant 0 : i32
    %dma_start3A_20 = tpu.memref_slice %arg2[%dma_start3A_18, %dma_start3A_19] : memref<10000x64xi32, #tpu.memory_space<hbm>> -> memref<10000x64xi32, #tpu.memory_space<hbm>>
    tpu.enqueue_indirect_dma source(%dma_start3A_20 : memref<10000x64xi32, #tpu.memory_space<hbm>>) target(%arg14 : memref<80x64xi32, #tpu.memory_space<vmem>>) offsets(%dma_start3A_17 : memref<80xi32, #tpu.memory_space<vmem>>) semaphore(%arg25 : memref<!tpu.dma_semaphore, #tpu.memory_space<semaphore_mem>>)
    %multiple_of3A_21 = arith.constant 160 : i32
    %multiple_of3A_22 = tpu.assume_multiple %multiple_of3A_21, 8 : i32
    %dma_start3A_23 = tpu.memref_slice %arg6[%multiple_of3A_22] : memref<10000xi32, #tpu.memory_space<vmem>> -> memref<80xi32, #tpu.memory_space<vmem>>
    %dma_start3A_24 = arith.constant 0 : i32
    %dma_start3A_25 = arith.constant 0 : i32
    %dma_start3A_26 = tpu.memref_slice %arg2[%dma_start3A_24, %dma_start3A_25] : memref<10000x64xi32, #tpu.memory_space<hbm>> -> memref<10000x64xi32, #tpu.memory_space<hbm>>
    tpu.enqueue_indirect_dma source(%dma_start3A_26 : memref<10000x64xi32, #tpu.memory_space<hbm>>) target(%arg10 : memref<80x64xi32, #tpu.memory_space<vmem>>) offsets(%dma_start3A_23 : memref<80xi32, #tpu.memory_space<vmem>>) semaphore(%arg21 : memref<!tpu.dma_semaphore, #tpu.memory_space<semaphore_mem>>)
    %dma_start3A_27 = tpu.memref_slice %arg7[%multiple_of3A_22] : memref<10000xi32, #tpu.memory_space<vmem>> -> memref<80xi32, #tpu.memory_space<vmem>>
    %dma_start3A_28 = arith.constant 0 : i32
    %dma_start3A_29 = arith.constant 0 : i32
    %dma_start3A_30 = tpu.memref_slice %arg2[%dma_start3A_28, %dma_start3A_29] : memref<10000x64xi32, #tpu.memory_space<hbm>> -> memref<10000x64xi32, #tpu.memory_space<hbm>>
    tpu.enqueue_indirect_dma source(%dma_start3A_30 : memref<10000x64xi32, #tpu.memory_space<hbm>>) target(%arg15 : memref<80x64xi32, #tpu.memory_space<vmem>>) offsets(%dma_start3A_27 : memref<80xi32, #tpu.memory_space<vmem>>) semaphore(%arg26 : memref<!tpu.dma_semaphore, #tpu.memory_space<semaphore_mem>>)
    %multiple_of3A_31 = arith.constant 240 : i32
    %multiple_of3A_32 = tpu.assume_multiple %multiple_of3A_31, 8 : i32
    %dma_start3A_33 = tpu.memref_slice %arg6[%multiple_of3A_32] : memref<10000xi32, #tpu.memory_space<vmem>> -> memref<80xi32, #tpu.memory_space<vmem>>
    %dma_start3A_34 = arith.constant 0 : i32
    %dma_start3A_35 = arith.constant 0 : i32
    %dma_start3A_36 = tpu.memref_slice %arg2[%dma_start3A_34, %dma_start3A_35] : memref<10000x64xi32, #tpu.memory_space<hbm>> -> memref<10000x64xi32, #tpu.memory_space<hbm>>
    tpu.enqueue_indirect_dma source(%dma_start3A_36 : memref<10000x64xi32, #tpu.memory_space<hbm>>) target(%arg11 : memref<80x64xi32, #tpu.memory_space<vmem>>) offsets(%dma_start3A_33 : memref<80xi32, #tpu.memory_space<vmem>>) semaphore(%arg22 : memref<!tpu.dma_semaphore, #tpu.memory_space<semaphore_mem>>)
    %dma_start3A_37 = tpu.memref_slice %arg7[%multiple_of3A_32] : memref<10000xi32, #tpu.memory_space<vmem>> -> memref<80xi32, #tpu.memory_space<vmem>>
    %dma_start3A_38 = arith.constant 0 : i32
    %dma_start3A_39 = arith.constant 0 : i32
    %dma_start3A_40 = tpu.memref_slice %arg2[%dma_start3A_38, %dma_start3A_39] : memref<10000x64xi32, #tpu.memory_space<hbm>> -> memref<10000x64xi32, #tpu.memory_space<hbm>>
    tpu.enqueue_indirect_dma source(%dma_start3A_40 : memref<10000x64xi32, #tpu.memory_space<hbm>>) target(%arg16 : memref<80x64xi32, #tpu.memory_space<vmem>>) offsets(%dma_start3A_37 : memref<80xi32, #tpu.memory_space<vmem>>) semaphore(%arg27 : memref<!tpu.dma_semaphore, #tpu.memory_space<semaphore_mem>>)
    %multiple_of3A_41 = arith.constant 320 : i32
    %multiple_of3A_42 = tpu.assume_multiple %multiple_of3A_41, 8 : i32
    %dma_start3A_43 = tpu.memref_slice %arg6[%multiple_of3A_42] : memref<10000xi32, #tpu.memory_space<vmem>> -> memref<80xi32, #tpu.memory_space<vmem>>
    %dma_start3A_44 = arith.constant 0 : i32
    %dma_start3A_45 = arith.constant 0 : i32
    %dma_start3A_46 = tpu.memref_slice %arg2[%dma_start3A_44, %dma_start3A_45] : memref<10000x64xi32, #tpu.memory_space<hbm>> -> memref<10000x64xi32, #tpu.memory_space<hbm>>
    tpu.enqueue_indirect_dma source(%dma_start3A_46 : memref<10000x64xi32, #tpu.memory_space<hbm>>) target(%arg12 : memref<80x64xi32, #tpu.memory_space<vmem>>) offsets(%dma_start3A_43 : memref<80xi32, #tpu.memory_space<vmem>>) semaphore(%arg23 : memref<!tpu.dma_semaphore, #tpu.memory_space<semaphore_mem>>)
    %dma_start3A_47 = tpu.memref_slice %arg7[%multiple_of3A_42] : memref<10000xi32, #tpu.memory_space<vmem>> -> memref<80xi32, #tpu.memory_space<vmem>>
    %dma_start3A_48 = arith.constant 0 : i32
    %dma_start3A_49 = arith.constant 0 : i32
    %dma_start3A_50 = tpu.memref_slice %arg2[%dma_start3A_48, %dma_start3A_49] : memref<10000x64xi32, #tpu.memory_space<hbm>> -> memref<10000x64xi32, #tpu.memory_space<hbm>>
    tpu.enqueue_indirect_dma source(%dma_start3A_50 : memref<10000x64xi32, #tpu.memory_space<hbm>>) target(%arg17 : memref<80x64xi32, #tpu.memory_space<vmem>>) offsets(%dma_start3A_47 : memref<80xi32, #tpu.memory_space<vmem>>) semaphore(%arg28 : memref<!tpu.dma_semaphore, #tpu.memory_space<semaphore_mem>>)
    %scan3A = arith.constant 0 : i32
    %scan3A_51 = arith.constant 0 : i32
    %scan3A_52 = arith.constant 25 : i32
    %scan3A_53 = arith.addi %scan3A_51, %scan3A_52 : i32
    %scan3A_54 = arith.constant 1 : i32
    scf.for %scan3A_73 = %scan3A_51 to %scan3A_53 step %scan3A_54  : i32 {
      %mul3A_74 = arith.constant 5 : i32
      %mul3A_75 = arith.muli %scan3A_73, %mul3A_74 : i32
      %jit3A = arith.constant 2 : i32
      %eq3A = arith.constant 0 : i32
      %eq3A_76 = arith.cmpi eq, %jit3A, %eq3A : i32
      %jit3A_77 = arith.constant 1 : i32
      %select_n3A = arith.select %eq3A_76, %jit3A_77, %jit3A : i32
      %rem3A = arith.remsi %scan3A_73, %select_n3A : i32
      %ne3A = arith.constant 0 : i32
      %ne3A_78 = arith.cmpi ne, %rem3A, %ne3A : i32
      %lt3A = arith.constant 0 : i32
      %lt3A_79 = arith.cmpi slt, %rem3A, %lt3A : i32
      %lt3A_80 = arith.constant 0 : i32
      %lt3A_81 = arith.cmpi slt, %select_n3A, %lt3A_80 : i32
      %ne3A_82 = arith.xori %lt3A_79, %lt3A_81 : i1
      %and3A = arith.andi %ne3A_82, %ne3A_78 : i1
      %add3A_83 = arith.addi %rem3A, %select_n3A : i32
      %select_n3A_84 = arith.select %and3A, %add3A_83, %rem3A : i32
      %mul3A_85 = arith.constant 400 : i32
      %mul3A_86 = arith.muli %select_n3A_84, %mul3A_85 : i32
      %multiple_of3A_87 = tpu.assume_multiple %mul3A_86, 8 : i32
      %mul3A_88 = arith.constant 400 : i32
      %mul3A_89 = arith.muli %scan3A_73, %mul3A_88 : i32
      %add3A_90 = arith.addi %mul3A_2, %mul3A_89 : i32
      %multiple_of3A_91 = tpu.assume_multiple %add3A_90, 8 : i32
      %ge3A = arith.constant 2 : i32
      %ge3A_92 = arith.cmpi sge, %scan3A_73, %ge3A : i32
      %convert_element_type3A = arith.extui %ge3A_92 : i1 to i32
      %cond3A = arith.constant 0 : i32
      %cond3A_93 = arith.cmpi ne, %convert_element_type3A, %cond3A : i32
      scf.if %cond3A_93 {
        %dma_wait3A_222 = tpu.memref_slice %arg18[%multiple_of3A_87] : memref<800xf32, #tpu.memory_space<vmem>> -> memref<400xf32, #tpu.memory_space<vmem>>
        %dma_wait3A_223 = tpu.memref_slice %arg5[%multiple_of3A_91] : memref<320000xf32, #tpu.memory_space<hbm>> -> memref<400xf32, #tpu.memory_space<hbm>>
        %dma_wait3A_224 = tpu.memref_slice %arg5[%multiple_of3A_91] : memref<320000xf32, #tpu.memory_space<hbm>> -> memref<400xf32, #tpu.memory_space<hbm>>
        %dma_wait3A_225 = tpu.memref_slice %arg18[%multiple_of3A_87] : memref<800xf32, #tpu.memory_space<vmem>> -> memref<400xf32, #tpu.memory_space<vmem>>
        tpu.wait_dma2 semaphore(%arg29 : memref<!tpu.dma_semaphore, #tpu.memory_space<semaphore_mem>>) src(%dma_wait3A_225 : memref<400xf32, #tpu.memory_space<vmem>>) dst(%dma_wait3A_224 : memref<400xf32, #tpu.memory_space<hbm>>)
      } else {
      }
      %add3A_94 = arith.constant 0 : i32
      %add3A_95 = arith.addi %mul3A_75, %add3A_94 : i32
      %mul3A_96 = arith.constant 80 : i32
      %mul3A_97 = arith.muli %add3A_95, %mul3A_96 : i32
      %multiple_of3A_98 = tpu.assume_multiple %mul3A_97, 8 : i32
      %dma_wait3A_99 = tpu.memref_slice %arg6[%multiple_of3A_98] : memref<10000xi32, #tpu.memory_space<vmem>> -> memref<80xi32, #tpu.memory_space<vmem>>
      %dma_wait3A_100 = arith.constant 0 : i32
      %dma_wait3A_101 = arith.constant 0 : i32
      %dma_wait3A_102 = tpu.memref_slice %arg2[%dma_wait3A_100, %dma_wait3A_101] : memref<10000x64xi32, #tpu.memory_space<hbm>> -> memref<10000x64xi32, #tpu.memory_space<hbm>>
      tpu.wait_indirect_dma semaphore(%arg19 : memref<!tpu.dma_semaphore, #tpu.memory_space<semaphore_mem>>) src(%dma_wait3A_102 : memref<10000x64xi32, #tpu.memory_space<hbm>>) dst(%arg8 : memref<80x64xi32, #tpu.memory_space<vmem>>)
      %dma_wait3A_103 = tpu.memref_slice %arg7[%multiple_of3A_98] : memref<10000xi32, #tpu.memory_space<vmem>> -> memref<80xi32, #tpu.memory_space<vmem>>
      %dma_wait3A_104 = arith.constant 0 : i32
      %dma_wait3A_105 = arith.constant 0 : i32
      %dma_wait3A_106 = tpu.memref_slice %arg2[%dma_wait3A_104, %dma_wait3A_105] : memref<10000x64xi32, #tpu.memory_space<hbm>> -> memref<10000x64xi32, #tpu.memory_space<hbm>>
      tpu.wait_indirect_dma semaphore(%arg24 : memref<!tpu.dma_semaphore, #tpu.memory_space<semaphore_mem>>) src(%dma_wait3A_106 : memref<10000x64xi32, #tpu.memory_space<hbm>>) dst(%arg13 : memref<80x64xi32, #tpu.memory_space<vmem>>)
      %parallel_loop3A = arith.constant 0 : i32
      %parallel_loop3A_107 = arith.constant 5 : i32
      %parallel_loop3A_108 = arith.constant 1 : i32
      scf.for %parallel_loop3A_222 = %parallel_loop3A to %parallel_loop3A_107 step %parallel_loop3A_108  : i32 {
        %parallel_loop3A_223 = arith.constant 0.000000e+00 : f32
        %parallel_loop3A_224 = vector.broadcast %parallel_loop3A_223 : f32 to vector<16xf32>
        %parallel_loop3A_225 = arith.constant 0 : i32
        %parallel_loop3A_226 = arith.constant 16 : i32
        %parallel_loop3A_227 = arith.constant 1 : i32
        %parallel_loop3A_228 = scf.for %parallel_loop3A_236 = %parallel_loop3A_225 to %parallel_loop3A_226 step %parallel_loop3A_227 iter_args(%parallel_loop3A_237 = %parallel_loop3A_224) -> (vector<16xf32>)  : i32 {
          %parallel_loop3A_238 = arith.constant 16 : i32
          %parallel_loop3A_239 = arith.muli %parallel_loop3A_222, %parallel_loop3A_238 : i32
          %parallel_loop3A_240 = arith.addi %parallel_loop3A_239, %parallel_loop3A_236 : i32
          %parallel_loop3A_241 = arith.index_cast %parallel_loop3A_240 : i32 to index
          %parallel_loop3A_242 = arith.constant 0 : index
          %parallel_loop3A_243 = tpu.vector_load %arg8[%parallel_loop3A_241, %parallel_loop3A_242] {strides = array<i32>} : memref<80x64xi32, #tpu.memory_space<vmem>>, vector<16xi32>,
          %parallel_loop3A_244 = vector.bitcast %parallel_loop3A_243 : vector<16xi32> to vector<32xbf16>
          %parallel_loop3A_245 = arith.index_cast %parallel_loop3A_240 : i32 to index
          %parallel_loop3A_246 = arith.constant 0 : index
          %parallel_loop3A_247 = tpu.vector_load %arg13[%parallel_loop3A_245, %parallel_loop3A_246] {strides = array<i32>} : memref<80x64xi32, #tpu.memory_space<vmem>>, vector<16xi32>,
          %parallel_loop3A_248 = vector.bitcast %parallel_loop3A_247 : vector<16xi32> to vector<32xbf16>
          %parallel_loop3A_249 = arith.mulf %parallel_loop3A_244, %parallel_loop3A_248 : vector<32xbf16>
          %parallel_loop3A_250 = tpu.unpack_subelements %parallel_loop3A_249, 0 {pack_format = #tpu.pack_format<interleaved>} : vector<32xbf16> -> vector<16xf32>
          %parallel_loop3A_251 = tpu.unpack_subelements %parallel_loop3A_249, 1 {pack_format = #tpu.pack_format<interleaved>} : vector<32xbf16> -> vector<16xf32>
          %parallel_loop3A_252 = arith.addf %parallel_loop3A_250, %parallel_loop3A_251 : vector<16xf32>
          %parallel_loop3A_253 = arith.index_cast %parallel_loop3A_240 : i32 to index
          %parallel_loop3A_254 = arith.constant 16 : index
          %parallel_loop3A_255 = tpu.vector_load %arg8[%parallel_loop3A_253, %parallel_loop3A_254] {strides = array<i32>} : memref<80x64xi32, #tpu.memory_space<vmem>>, vector<16xi32>,
          %parallel_loop3A_256 = vector.bitcast %parallel_loop3A_255 : vector<16xi32> to vector<32xbf16>
          %parallel_loop3A_257 = arith.index_cast %parallel_loop3A_240 : i32 to index
          %parallel_loop3A_258 = arith.constant 16 : index
          %parallel_loop3A_259 = tpu.vector_load %arg13[%parallel_loop3A_257, %parallel_loop3A_258] {strides = array<i32>} : memref<80x64xi32, #tpu.memory_space<vmem>>, vector<16xi32>,
          %parallel_loop3A_260 = vector.bitcast %parallel_loop3A_259 : vector<16xi32> to vector<32xbf16>
          %parallel_loop3A_261 = arith.mulf %parallel_loop3A_256, %parallel_loop3A_260 : vector<32xbf16>
          %parallel_loop3A_262 = tpu.unpack_subelements %parallel_loop3A_261, 0 {pack_format = #tpu.pack_format<interleaved>} : vector<32xbf16> -> vector<16xf32>
          %parallel_loop3A_263 = tpu.unpack_subelements %parallel_loop3A_261, 1 {pack_format = #tpu.pack_format<interleaved>} : vector<32xbf16> -> vector<16xf32>
          %parallel_loop3A_264 = arith.addf %parallel_loop3A_262, %parallel_loop3A_263 : vector<16xf32>
          %parallel_loop3A_265 = arith.addf %parallel_loop3A_252, %parallel_loop3A_264 : vector<16xf32>
          %parallel_loop3A_266 = arith.index_cast %parallel_loop3A_240 : i32 to index
          %parallel_loop3A_267 = arith.constant 32 : index
          %parallel_loop3A_268 = tpu.vector_load %arg8[%parallel_loop3A_266, %parallel_loop3A_267] {strides = array<i32>} : memref<80x64xi32, #tpu.memory_space<vmem>>, vector<16xi32>,
          %parallel_loop3A_269 = vector.bitcast %parallel_loop3A_268 : vector<16xi32> to vector<32xbf16>
          %parallel_loop3A_270 = arith.index_cast %parallel_loop3A_240 : i32 to index
          %parallel_loop3A_271 = arith.constant 32 : index
          %parallel_loop3A_272 = tpu.vector_load %arg13[%parallel_loop3A_270, %parallel_loop3A_271] {strides = array<i32>} : memref<80x64xi32, #tpu.memory_space<vmem>>, vector<16xi32>,
          %parallel_loop3A_273 = vector.bitcast %parallel_loop3A_272 : vector<16xi32> to vector<32xbf16>
          %parallel_loop3A_274 = arith.mulf %parallel_loop3A_269, %parallel_loop3A_273 : vector<32xbf16>
          %parallel_loop3A_275 = tpu.unpack_subelements %parallel_loop3A_274, 0 {pack_format = #tpu.pack_format<interleaved>} : vector<32xbf16> -> vector<16xf32>
          %parallel_loop3A_276 = tpu.unpack_subelements %parallel_loop3A_274, 1 {pack_format = #tpu.pack_format<interleaved>} : vector<32xbf16> -> vector<16xf32>
          %parallel_loop3A_277 = arith.addf %parallel_loop3A_275, %parallel_loop3A_276 : vector<16xf32>
          %parallel_loop3A_278 = arith.addf %parallel_loop3A_265, %parallel_loop3A_277 : vector<16xf32>
          %parallel_loop3A_279 = arith.index_cast %parallel_loop3A_240 : i32 to index
          %parallel_loop3A_280 = arith.constant 48 : index
          %parallel_loop3A_281 = tpu.vector_load %arg8[%parallel_loop3A_279, %parallel_loop3A_280] {strides = array<i32>} : memref<80x64xi32, #tpu.memory_space<vmem>>, vector<16xi32>,
          %parallel_loop3A_282 = vector.bitcast %parallel_loop3A_281 : vector<16xi32> to vector<32xbf16>
          %parallel_loop3A_283 = arith.index_cast %parallel_loop3A_240 : i32 to index
          %parallel_loop3A_284 = arith.constant 48 : index
          %parallel_loop3A_285 = tpu.vector_load %arg13[%parallel_loop3A_283, %parallel_loop3A_284] {strides = array<i32>} : memref<80x64xi32, #tpu.memory_space<vmem>>, vector<16xi32>,
          %parallel_loop3A_286 = vector.bitcast %parallel_loop3A_285 : vector<16xi32> to vector<32xbf16>
          %parallel_loop3A_287 = arith.mulf %parallel_loop3A_282, %parallel_loop3A_286 : vector<32xbf16>
          %parallel_loop3A_288 = tpu.unpack_subelements %parallel_loop3A_287, 0 {pack_format = #tpu.pack_format<interleaved>} : vector<32xbf16> -> vector<16xf32>
          %parallel_loop3A_289 = tpu.unpack_subelements %parallel_loop3A_287, 1 {pack_format = #tpu.pack_format<interleaved>} : vector<32xbf16> -> vector<16xf32>
          %parallel_loop3A_290 = arith.addf %parallel_loop3A_288, %parallel_loop3A_289 : vector<16xf32>
          %parallel_loop3A_291 = arith.addf %parallel_loop3A_278, %parallel_loop3A_290 : vector<16xf32>
          %parallel_loop3A_292 = vector.broadcast %parallel_loop3A_236 : i32 to vector<16xi32>
          %parallel_loop3A_293 = arith.cmpi eq, %iota3A, %parallel_loop3A_292 : vector<16xi32>
          %parallel_loop3A_294 = arith.constant true
          %parallel_loop3A_295 = vector.broadcast %parallel_loop3A_294 : i1 to vector<16xi1>
          %parallel_loop3A_296 = tpu.scan <sum>, %parallel_loop3A_291 masked %parallel_loop3A_295 : vector<16xf32>, vector<16xi1> -> vector<16xf32>
          %parallel_loop3A_297 = vector.extract %parallel_loop3A_296[15] : f32 from vector<16xf32>
          %parallel_loop3A_298 = vector.broadcast %parallel_loop3A_297 : f32 to vector<16xf32>
          %parallel_loop3A_299 = arith.select %parallel_loop3A_293, %parallel_loop3A_298, %parallel_loop3A_237 : vector<16xi1>, vector<16xf32>
          scf.yield %parallel_loop3A_299 : vector<16xf32>
        } {sc.loop_unroll_factor = 4 : i64, sc.parallel_access}
        %parallel_loop3A_229 = arith.constant 0 : i32
        %parallel_loop3A_230 = arith.addi %multiple_of3A_87, %parallel_loop3A_229 : i32
        %parallel_loop3A_231 = arith.constant 16 : i32
        %parallel_loop3A_232 = arith.muli %parallel_loop3A_222, %parallel_loop3A_231 : i32
        %parallel_loop3A_233 = arith.addi %parallel_loop3A_230, %parallel_loop3A_232 : i32
        %parallel_loop3A_234 = arith.index_cast %parallel_loop3A_233 : i32 to index
        %parallel_loop3A_235 = tpu.vector_load %arg18[%parallel_loop3A_234] {strides = array<i32>} : memref<800xf32, #tpu.memory_space<vmem>>, vector<16xf32>,
        tpu.vector_store %arg18[%parallel_loop3A_234], %parallel_loop3A_228 {strides = array<i32>} : memref<800xf32, #tpu.memory_space<vmem>>, vector<16xf32>,
      } {sc.loop_unroll_factor = 1 : i64, sc.parallel_access}
      %add3A_109 = arith.constant 0 : i32
      %add3A_110 = arith.addi %mul3A_75, %add3A_109 : i32
      %add3A_111 = arith.constant 5 : i32
      %add3A_112 = arith.addi %add3A_110, %add3A_111 : i32
      %lt3A_113 = arith.constant 125 : i32
      %lt3A_114 = arith.cmpi slt, %add3A_112, %lt3A_113 : i32
      %convert_element_type3A_115 = arith.extui %lt3A_114 : i1 to i32
      %cond3A_116 = arith.constant 0 : i32
      %cond3A_117 = arith.cmpi ne, %convert_element_type3A_115, %cond3A_116 : i32
      scf.if %cond3A_117 {
        %add3A_222 = arith.constant 0 : i32
        %add3A_223 = arith.addi %mul3A_75, %add3A_222 : i32
        %add3A_224 = arith.constant 5 : i32
        %add3A_225 = arith.addi %add3A_223, %add3A_224 : i32
        %mul3A_226 = arith.constant 80 : i32
        %mul3A_227 = arith.muli %add3A_225, %mul3A_226 : i32
        %multiple_of3A_228 = tpu.assume_multiple %mul3A_227, 8 : i32
        %dma_start3A_229 = tpu.memref_slice %arg6[%multiple_of3A_228] : memref<10000xi32, #tpu.memory_space<vmem>> -> memref<80xi32, #tpu.memory_space<vmem>>
        %dma_start3A_230 = arith.constant 0 : i32
        %dma_start3A_231 = arith.constant 0 : i32
        %dma_start3A_232 = tpu.memref_slice %arg2[%dma_start3A_230, %dma_start3A_231] : memref<10000x64xi32, #tpu.memory_space<hbm>> -> memref<10000x64xi32, #tpu.memory_space<hbm>>
        tpu.enqueue_indirect_dma source(%dma_start3A_232 : memref<10000x64xi32, #tpu.memory_space<hbm>>) target(%arg8 : memref<80x64xi32, #tpu.memory_space<vmem>>) offsets(%dma_start3A_229 : memref<80xi32, #tpu.memory_space<vmem>>) semaphore(%arg19 : memref<!tpu.dma_semaphore, #tpu.memory_space<semaphore_mem>>)
        %dma_start3A_233 = tpu.memref_slice %arg7[%multiple_of3A_228] : memref<10000xi32, #tpu.memory_space<vmem>> -> memref<80xi32, #tpu.memory_space<vmem>>
        %dma_start3A_234 = arith.constant 0 : i32
        %dma_start3A_235 = arith.constant 0 : i32
        %dma_start3A_236 = tpu.memref_slice %arg2[%dma_start3A_234, %dma_start3A_235] : memref<10000x64xi32, #tpu.memory_space<hbm>> -> memref<10000x64xi32, #tpu.memory_space<hbm>>
        tpu.enqueue_indirect_dma source(%dma_start3A_236 : memref<10000x64xi32, #tpu.memory_space<hbm>>) target(%arg13 : memref<80x64xi32, #tpu.memory_space<vmem>>) offsets(%dma_start3A_233 : memref<80xi32, #tpu.memory_space<vmem>>) semaphore(%arg24 : memref<!tpu.dma_semaphore, #tpu.memory_space<semaphore_mem>>)
      } else {
      }
      %add3A_118 = arith.constant 1 : i32
      %add3A_119 = arith.addi %mul3A_75, %add3A_118 : i32
      %mul3A_120 = arith.constant 80 : i32
      %mul3A_121 = arith.muli %add3A_119, %mul3A_120 : i32
      %multiple_of3A_122 = tpu.assume_multiple %mul3A_121, 8 : i32
      %dma_wait3A_123 = tpu.memref_slice %arg6[%multiple_of3A_122] : memref<10000xi32, #tpu.memory_space<vmem>> -> memref<80xi32, #tpu.memory_space<vmem>>
      %dma_wait3A_124 = arith.constant 0 : i32
      %dma_wait3A_125 = arith.constant 0 : i32
      %dma_wait3A_126 = tpu.memref_slice %arg2[%dma_wait3A_124, %dma_wait3A_125] : memref<10000x64xi32, #tpu.memory_space<hbm>> -> memref<10000x64xi32, #tpu.memory_space<hbm>>
      tpu.wait_indirect_dma semaphore(%arg20 : memref<!tpu.dma_semaphore, #tpu.memory_space<semaphore_mem>>) src(%dma_wait3A_126 : memref<10000x64xi32, #tpu.memory_space<hbm>>) dst(%arg9 : memref<80x64xi32, #tpu.memory_space<vmem>>)
      %dma_wait3A_127 = tpu.memref_slice %arg7[%multiple_of3A_122] : memref<10000xi32, #tpu.memory_space<vmem>> -> memref<80xi32, #tpu.memory_space<vmem>>
      %dma_wait3A_128 = arith.constant 0 : i32
      %dma_wait3A_129 = arith.constant 0 : i32
      %dma_wait3A_130 = tpu.memref_slice %arg2[%dma_wait3A_128, %dma_wait3A_129] : memref<10000x64xi32, #tpu.memory_space<hbm>> -> memref<10000x64xi32, #tpu.memory_space<hbm>>
      tpu.wait_indirect_dma semaphore(%arg25 : memref<!tpu.dma_semaphore, #tpu.memory_space<semaphore_mem>>) src(%dma_wait3A_130 : memref<10000x64xi32, #tpu.memory_space<hbm>>) dst(%arg14 : memref<80x64xi32, #tpu.memory_space<vmem>>)
      %parallel_loop3A_131 = arith.constant 0 : i32
      %parallel_loop3A_132 = arith.constant 5 : i32
      %parallel_loop3A_133 = arith.constant 1 : i32
      scf.for %parallel_loop3A_222 = %parallel_loop3A_131 to %parallel_loop3A_132 step %parallel_loop3A_133  : i32 {
        %parallel_loop3A_223 = arith.constant 0.000000e+00 : f32
        %parallel_loop3A_224 = vector.broadcast %parallel_loop3A_223 : f32 to vector<16xf32>
        %parallel_loop3A_225 = arith.constant 0 : i32
        %parallel_loop3A_226 = arith.constant 16 : i32
        %parallel_loop3A_227 = arith.constant 1 : i32
        %parallel_loop3A_228 = scf.for %parallel_loop3A_236 = %parallel_loop3A_225 to %parallel_loop3A_226 step %parallel_loop3A_227 iter_args(%parallel_loop3A_237 = %parallel_loop3A_224) -> (vector<16xf32>)  : i32 {
          %parallel_loop3A_238 = arith.constant 16 : i32
          %parallel_loop3A_239 = arith.muli %parallel_loop3A_222, %parallel_loop3A_238 : i32
          %parallel_loop3A_240 = arith.addi %parallel_loop3A_239, %parallel_loop3A_236 : i32
          %parallel_loop3A_241 = arith.index_cast %parallel_loop3A_240 : i32 to index
          %parallel_loop3A_242 = arith.constant 0 : index
          %parallel_loop3A_243 = tpu.vector_load %arg9[%parallel_loop3A_241, %parallel_loop3A_242] {strides = array<i32>} : memref<80x64xi32, #tpu.memory_space<vmem>>, vector<16xi32>,
          %parallel_loop3A_244 = vector.bitcast %parallel_loop3A_243 : vector<16xi32> to vector<32xbf16>
          %parallel_loop3A_245 = arith.index_cast %parallel_loop3A_240 : i32 to index
          %parallel_loop3A_246 = arith.constant 0 : index
          %parallel_loop3A_247 = tpu.vector_load %arg14[%parallel_loop3A_245, %parallel_loop3A_246] {strides = array<i32>} : memref<80x64xi32, #tpu.memory_space<vmem>>, vector<16xi32>,
          %parallel_loop3A_248 = vector.bitcast %parallel_loop3A_247 : vector<16xi32> to vector<32xbf16>
          %parallel_loop3A_249 = arith.mulf %parallel_loop3A_244, %parallel_loop3A_248 : vector<32xbf16>
          %parallel_loop3A_250 = tpu.unpack_subelements %parallel_loop3A_249, 0 {pack_format = #tpu.pack_format<interleaved>} : vector<32xbf16> -> vector<16xf32>
          %parallel_loop3A_251 = tpu.unpack_subelements %parallel_loop3A_249, 1 {pack_format = #tpu.pack_format<interleaved>} : vector<32xbf16> -> vector<16xf32>
          %parallel_loop3A_252 = arith.addf %parallel_loop3A_250, %parallel_loop3A_251 : vector<16xf32>
          %parallel_loop3A_253 = arith.index_cast %parallel_loop3A_240 : i32 to index
          %parallel_loop3A_254 = arith.constant 16 : index
          %parallel_loop3A_255 = tpu.vector_load %arg9[%parallel_loop3A_253, %parallel_loop3A_254] {strides = array<i32>} : memref<80x64xi32, #tpu.memory_space<vmem>>, vector<16xi32>,
          %parallel_loop3A_256 = vector.bitcast %parallel_loop3A_255 : vector<16xi32> to vector<32xbf16>
          %parallel_loop3A_257 = arith.index_cast %parallel_loop3A_240 : i32 to index
          %parallel_loop3A_258 = arith.constant 16 : index
          %parallel_loop3A_259 = tpu.vector_load %arg14[%parallel_loop3A_257, %parallel_loop3A_258] {strides = array<i32>} : memref<80x64xi32, #tpu.memory_space<vmem>>, vector<16xi32>,
          %parallel_loop3A_260 = vector.bitcast %parallel_loop3A_259 : vector<16xi32> to vector<32xbf16>
          %parallel_loop3A_261 = arith.mulf %parallel_loop3A_256, %parallel_loop3A_260 : vector<32xbf16>
          %parallel_loop3A_262 = tpu.unpack_subelements %parallel_loop3A_261, 0 {pack_format = #tpu.pack_format<interleaved>} : vector<32xbf16> -> vector<16xf32>
          %parallel_loop3A_263 = tpu.unpack_subelements %parallel_loop3A_261, 1 {pack_format = #tpu.pack_format<interleaved>} : vector<32xbf16> -> vector<16xf32>
          %parallel_loop3A_264 = arith.addf %parallel_loop3A_262, %parallel_loop3A_263 : vector<16xf32>
          %parallel_loop3A_265 = arith.addf %parallel_loop3A_252, %parallel_loop3A_264 : vector<16xf32>
          %parallel_loop3A_266 = arith.index_cast %parallel_loop3A_240 : i32 to index
          %parallel_loop3A_267 = arith.constant 32 : index
          %parallel_loop3A_268 = tpu.vector_load %arg9[%parallel_loop3A_266, %parallel_loop3A_267] {strides = array<i32>} : memref<80x64xi32, #tpu.memory_space<vmem>>, vector<16xi32>,
          %parallel_loop3A_269 = vector.bitcast %parallel_loop3A_268 : vector<16xi32> to vector<32xbf16>
          %parallel_loop3A_270 = arith.index_cast %parallel_loop3A_240 : i32 to index
          %parallel_loop3A_271 = arith.constant 32 : index
          %parallel_loop3A_272 = tpu.vector_load %arg14[%parallel_loop3A_270, %parallel_loop3A_271] {strides = array<i32>} : memref<80x64xi32, #tpu.memory_space<vmem>>, vector<16xi32>,
          %parallel_loop3A_273 = vector.bitcast %parallel_loop3A_272 : vector<16xi32> to vector<32xbf16>
          %parallel_loop3A_274 = arith.mulf %parallel_loop3A_269, %parallel_loop3A_273 : vector<32xbf16>
          %parallel_loop3A_275 = tpu.unpack_subelements %parallel_loop3A_274, 0 {pack_format = #tpu.pack_format<interleaved>} : vector<32xbf16> -> vector<16xf32>
          %parallel_loop3A_276 = tpu.unpack_subelements %parallel_loop3A_274, 1 {pack_format = #tpu.pack_format<interleaved>} : vector<32xbf16> -> vector<16xf32>
          %parallel_loop3A_277 = arith.addf %parallel_loop3A_275, %parallel_loop3A_276 : vector<16xf32>
          %parallel_loop3A_278 = arith.addf %parallel_loop3A_265, %parallel_loop3A_277 : vector<16xf32>
          %parallel_loop3A_279 = arith.index_cast %parallel_loop3A_240 : i32 to index
          %parallel_loop3A_280 = arith.constant 48 : index
          %parallel_loop3A_281 = tpu.vector_load %arg9[%parallel_loop3A_279, %parallel_loop3A_280] {strides = array<i32>} : memref<80x64xi32, #tpu.memory_space<vmem>>, vector<16xi32>,
          %parallel_loop3A_282 = vector.bitcast %parallel_loop3A_281 : vector<16xi32> to vector<32xbf16>
          %parallel_loop3A_283 = arith.index_cast %parallel_loop3A_240 : i32 to index
          %parallel_loop3A_284 = arith.constant 48 : index
          %parallel_loop3A_285 = tpu.vector_load %arg14[%parallel_loop3A_283, %parallel_loop3A_284] {strides = array<i32>} : memref<80x64xi32, #tpu.memory_space<vmem>>, vector<16xi32>,
          %parallel_loop3A_286 = vector.bitcast %parallel_loop3A_285 : vector<16xi32> to vector<32xbf16>
          %parallel_loop3A_287 = arith.mulf %parallel_loop3A_282, %parallel_loop3A_286 : vector<32xbf16>
          %parallel_loop3A_288 = tpu.unpack_subelements %parallel_loop3A_287, 0 {pack_format = #tpu.pack_format<interleaved>} : vector<32xbf16> -> vector<16xf32>
          %parallel_loop3A_289 = tpu.unpack_subelements %parallel_loop3A_287, 1 {pack_format = #tpu.pack_format<interleaved>} : vector<32xbf16> -> vector<16xf32>
          %parallel_loop3A_290 = arith.addf %parallel_loop3A_288, %parallel_loop3A_289 : vector<16xf32>
          %parallel_loop3A_291 = arith.addf %parallel_loop3A_278, %parallel_loop3A_290 : vector<16xf32>
          %parallel_loop3A_292 = vector.broadcast %parallel_loop3A_236 : i32 to vector<16xi32>
          %parallel_loop3A_293 = arith.cmpi eq, %iota3A, %parallel_loop3A_292 : vector<16xi32>
          %parallel_loop3A_294 = arith.constant true
          %parallel_loop3A_295 = vector.broadcast %parallel_loop3A_294 : i1 to vector<16xi1>
          %parallel_loop3A_296 = tpu.scan <sum>, %parallel_loop3A_291 masked %parallel_loop3A_295 : vector<16xf32>, vector<16xi1> -> vector<16xf32>
          %parallel_loop3A_297 = vector.extract %parallel_loop3A_296[15] : f32 from vector<16xf32>
          %parallel_loop3A_298 = vector.broadcast %parallel_loop3A_297 : f32 to vector<16xf32>
          %parallel_loop3A_299 = arith.select %parallel_loop3A_293, %parallel_loop3A_298, %parallel_loop3A_237 : vector<16xi1>, vector<16xf32>
          scf.yield %parallel_loop3A_299 : vector<16xf32>
        } {sc.loop_unroll_factor = 4 : i64, sc.parallel_access}
        %parallel_loop3A_229 = arith.constant 80 : i32
        %parallel_loop3A_230 = arith.addi %multiple_of3A_87, %parallel_loop3A_229 : i32
        %parallel_loop3A_231 = arith.constant 16 : i32
        %parallel_loop3A_232 = arith.muli %parallel_loop3A_222, %parallel_loop3A_231 : i32
        %parallel_loop3A_233 = arith.addi %parallel_loop3A_230, %parallel_loop3A_232 : i32
        %parallel_loop3A_234 = arith.index_cast %parallel_loop3A_233 : i32 to index
        %parallel_loop3A_235 = tpu.vector_load %arg18[%parallel_loop3A_234] {strides = array<i32>} : memref<800xf32, #tpu.memory_space<vmem>>, vector<16xf32>,
        tpu.vector_store %arg18[%parallel_loop3A_234], %parallel_loop3A_228 {strides = array<i32>} : memref<800xf32, #tpu.memory_space<vmem>>, vector<16xf32>,
      } {sc.loop_unroll_factor = 1 : i64, sc.parallel_access}
      %add3A_134 = arith.constant 1 : i32
      %add3A_135 = arith.addi %mul3A_75, %add3A_134 : i32
      %add3A_136 = arith.constant 5 : i32
      %add3A_137 = arith.addi %add3A_135, %add3A_136 : i32
      %lt3A_138 = arith.constant 125 : i32
      %lt3A_139 = arith.cmpi slt, %add3A_137, %lt3A_138 : i32
      %convert_element_type3A_140 = arith.extui %lt3A_139 : i1 to i32
      %cond3A_141 = arith.constant 0 : i32
      %cond3A_142 = arith.cmpi ne, %convert_element_type3A_140, %cond3A_141 : i32
      scf.if %cond3A_142 {
        %add3A_222 = arith.constant 1 : i32
        %add3A_223 = arith.addi %mul3A_75, %add3A_222 : i32
        %add3A_224 = arith.constant 5 : i32
        %add3A_225 = arith.addi %add3A_223, %add3A_224 : i32
        %mul3A_226 = arith.constant 80 : i32
        %mul3A_227 = arith.muli %add3A_225, %mul3A_226 : i32
        %multiple_of3A_228 = tpu.assume_multiple %mul3A_227, 8 : i32
        %dma_start3A_229 = tpu.memref_slice %arg6[%multiple_of3A_228] : memref<10000xi32, #tpu.memory_space<vmem>> -> memref<80xi32, #tpu.memory_space<vmem>>
        %dma_start3A_230 = arith.constant 0 : i32
        %dma_start3A_231 = arith.constant 0 : i32
        %dma_start3A_232 = tpu.memref_slice %arg2[%dma_start3A_230, %dma_start3A_231] : memref<10000x64xi32, #tpu.memory_space<hbm>> -> memref<10000x64xi32, #tpu.memory_space<hbm>>
        tpu.enqueue_indirect_dma source(%dma_start3A_232 : memref<10000x64xi32, #tpu.memory_space<hbm>>) target(%arg9 : memref<80x64xi32, #tpu.memory_space<vmem>>) offsets(%dma_start3A_229 : memref<80xi32, #tpu.memory_space<vmem>>) semaphore(%arg20 : memref<!tpu.dma_semaphore, #tpu.memory_space<semaphore_mem>>)
        %dma_start3A_233 = tpu.memref_slice %arg7[%multiple_of3A_228] : memref<10000xi32, #tpu.memory_space<vmem>> -> memref<80xi32, #tpu.memory_space<vmem>>
        %dma_start3A_234 = arith.constant 0 : i32
        %dma_start3A_235 = arith.constant 0 : i32
        %dma_start3A_236 = tpu.memref_slice %arg2[%dma_start3A_234, %dma_start3A_235] : memref<10000x64xi32, #tpu.memory_space<hbm>> -> memref<10000x64xi32, #tpu.memory_space<hbm>>
        tpu.enqueue_indirect_dma source(%dma_start3A_236 : memref<10000x64xi32, #tpu.memory_space<hbm>>) target(%arg14 : memref<80x64xi32, #tpu.memory_space<vmem>>) offsets(%dma_start3A_233 : memref<80xi32, #tpu.memory_space<vmem>>) semaphore(%arg25 : memref<!tpu.dma_semaphore, #tpu.memory_space<semaphore_mem>>)
      } else {
      }
      %add3A_143 = arith.constant 2 : i32
      %add3A_144 = arith.addi %mul3A_75, %add3A_143 : i32
      %mul3A_145 = arith.constant 80 : i32
      %mul3A_146 = arith.muli %add3A_144, %mul3A_145 : i32
      %multiple_of3A_147 = tpu.assume_multiple %mul3A_146, 8 : i32
      %dma_wait3A_148 = tpu.memref_slice %arg6[%multiple_of3A_147] : memref<10000xi32, #tpu.memory_space<vmem>> -> memref<80xi32, #tpu.memory_space<vmem>>
      %dma_wait3A_149 = arith.constant 0 : i32
      %dma_wait3A_150 = arith.constant 0 : i32
      %dma_wait3A_151 = tpu.memref_slice %arg2[%dma_wait3A_149, %dma_wait3A_150] : memref<10000x64xi32, #tpu.memory_space<hbm>> -> memref<10000x64xi32, #tpu.memory_space<hbm>>
      tpu.wait_indirect_dma semaphore(%arg21 : memref<!tpu.dma_semaphore, #tpu.memory_space<semaphore_mem>>) src(%dma_wait3A_151 : memref<10000x64xi32, #tpu.memory_space<hbm>>) dst(%arg10 : memref<80x64xi32, #tpu.memory_space<vmem>>)
      %dma_wait3A_152 = tpu.memref_slice %arg7[%multiple_of3A_147] : memref<10000xi32, #tpu.memory_space<vmem>> -> memref<80xi32, #tpu.memory_space<vmem>>
      %dma_wait3A_153 = arith.constant 0 : i32
      %dma_wait3A_154 = arith.constant 0 : i32
      %dma_wait3A_155 = tpu.memref_slice %arg2[%dma_wait3A_153, %dma_wait3A_154] : memref<10000x64xi32, #tpu.memory_space<hbm>> -> memref<10000x64xi32, #tpu.memory_space<hbm>>
      tpu.wait_indirect_dma semaphore(%arg26 : memref<!tpu.dma_semaphore, #tpu.memory_space<semaphore_mem>>) src(%dma_wait3A_155 : memref<10000x64xi32, #tpu.memory_space<hbm>>) dst(%arg15 : memref<80x64xi32, #tpu.memory_space<vmem>>)
      %parallel_loop3A_156 = arith.constant 0 : i32
      %parallel_loop3A_157 = arith.constant 5 : i32
      %parallel_loop3A_158 = arith.constant 1 : i32
      scf.for %parallel_loop3A_222 = %parallel_loop3A_156 to %parallel_loop3A_157 step %parallel_loop3A_158  : i32 {
        %parallel_loop3A_223 = arith.constant 0.000000e+00 : f32
        %parallel_loop3A_224 = vector.broadcast %parallel_loop3A_223 : f32 to vector<16xf32>
        %parallel_loop3A_225 = arith.constant 0 : i32
        %parallel_loop3A_226 = arith.constant 16 : i32
        %parallel_loop3A_227 = arith.constant 1 : i32
        %parallel_loop3A_228 = scf.for %parallel_loop3A_236 = %parallel_loop3A_225 to %parallel_loop3A_226 step %parallel_loop3A_227 iter_args(%parallel_loop3A_237 = %parallel_loop3A_224) -> (vector<16xf32>)  : i32 {
          %parallel_loop3A_238 = arith.constant 16 : i32
          %parallel_loop3A_239 = arith.muli %parallel_loop3A_222, %parallel_loop3A_238 : i32
          %parallel_loop3A_240 = arith.addi %parallel_loop3A_239, %parallel_loop3A_236 : i32
          %parallel_loop3A_241 = arith.index_cast %parallel_loop3A_240 : i32 to index
          %parallel_loop3A_242 = arith.constant 0 : index
          %parallel_loop3A_243 = tpu.vector_load %arg10[%parallel_loop3A_241, %parallel_loop3A_242] {strides = array<i32>} : memref<80x64xi32, #tpu.memory_space<vmem>>, vector<16xi32>,
          %parallel_loop3A_244 = vector.bitcast %parallel_loop3A_243 : vector<16xi32> to vector<32xbf16>
          %parallel_loop3A_245 = arith.index_cast %parallel_loop3A_240 : i32 to index
          %parallel_loop3A_246 = arith.constant 0 : index
          %parallel_loop3A_247 = tpu.vector_load %arg15[%parallel_loop3A_245, %parallel_loop3A_246] {strides = array<i32>} : memref<80x64xi32, #tpu.memory_space<vmem>>, vector<16xi32>,
          %parallel_loop3A_248 = vector.bitcast %parallel_loop3A_247 : vector<16xi32> to vector<32xbf16>
          %parallel_loop3A_249 = arith.mulf %parallel_loop3A_244, %parallel_loop3A_248 : vector<32xbf16>
          %parallel_loop3A_250 = tpu.unpack_subelements %parallel_loop3A_249, 0 {pack_format = #tpu.pack_format<interleaved>} : vector<32xbf16> -> vector<16xf32>
          %parallel_loop3A_251 = tpu.unpack_subelements %parallel_loop3A_249, 1 {pack_format = #tpu.pack_format<interleaved>} : vector<32xbf16> -> vector<16xf32>
          %parallel_loop3A_252 = arith.addf %parallel_loop3A_250, %parallel_loop3A_251 : vector<16xf32>
          %parallel_loop3A_253 = arith.index_cast %parallel_loop3A_240 : i32 to index
          %parallel_loop3A_254 = arith.constant 16 : index
          %parallel_loop3A_255 = tpu.vector_load %arg10[%parallel_loop3A_253, %parallel_loop3A_254] {strides = array<i32>} : memref<80x64xi32, #tpu.memory_space<vmem>>, vector<16xi32>,
          %parallel_loop3A_256 = vector.bitcast %parallel_loop3A_255 : vector<16xi32> to vector<32xbf16>
          %parallel_loop3A_257 = arith.index_cast %parallel_loop3A_240 : i32 to index
          %parallel_loop3A_258 = arith.constant 16 : index
          %parallel_loop3A_259 = tpu.vector_load %arg15[%parallel_loop3A_257, %parallel_loop3A_258] {strides = array<i32>} : memref<80x64xi32, #tpu.memory_space<vmem>>, vector<16xi32>,
          %parallel_loop3A_260 = vector.bitcast %parallel_loop3A_259 : vector<16xi32> to vector<32xbf16>
          %parallel_loop3A_261 = arith.mulf %parallel_loop3A_256, %parallel_loop3A_260 : vector<32xbf16>
          %parallel_loop3A_262 = tpu.unpack_subelements %parallel_loop3A_261, 0 {pack_format = #tpu.pack_format<interleaved>} : vector<32xbf16> -> vector<16xf32>
          %parallel_loop3A_263 = tpu.unpack_subelements %parallel_loop3A_261, 1 {pack_format = #tpu.pack_format<interleaved>} : vector<32xbf16> -> vector<16xf32>
          %parallel_loop3A_264 = arith.addf %parallel_loop3A_262, %parallel_loop3A_263 : vector<16xf32>
          %parallel_loop3A_265 = arith.addf %parallel_loop3A_252, %parallel_loop3A_264 : vector<16xf32>
          %parallel_loop3A_266 = arith.index_cast %parallel_loop3A_240 : i32 to index
          %parallel_loop3A_267 = arith.constant 32 : index
          %parallel_loop3A_268 = tpu.vector_load %arg10[%parallel_loop3A_266, %parallel_loop3A_267] {strides = array<i32>} : memref<80x64xi32, #tpu.memory_space<vmem>>, vector<16xi32>,
          %parallel_loop3A_269 = vector.bitcast %parallel_loop3A_268 : vector<16xi32> to vector<32xbf16>
          %parallel_loop3A_270 = arith.index_cast %parallel_loop3A_240 : i32 to index
          %parallel_loop3A_271 = arith.constant 32 : index
          %parallel_loop3A_272 = tpu.vector_load %arg15[%parallel_loop3A_270, %parallel_loop3A_271] {strides = array<i32>} : memref<80x64xi32, #tpu.memory_space<vmem>>, vector<16xi32>,
          %parallel_loop3A_273 = vector.bitcast %parallel_loop3A_272 : vector<16xi32> to vector<32xbf16>
          %parallel_loop3A_274 = arith.mulf %parallel_loop3A_269, %parallel_loop3A_273 : vector<32xbf16>
          %parallel_loop3A_275 = tpu.unpack_subelements %parallel_loop3A_274, 0 {pack_format = #tpu.pack_format<interleaved>} : vector<32xbf16> -> vector<16xf32>
          %parallel_loop3A_276 = tpu.unpack_subelements %parallel_loop3A_274, 1 {pack_format = #tpu.pack_format<interleaved>} : vector<32xbf16> -> vector<16xf32>
          %parallel_loop3A_277 = arith.addf %parallel_loop3A_275, %parallel_loop3A_276 : vector<16xf32>
          %parallel_loop3A_278 = arith.addf %parallel_loop3A_265, %parallel_loop3A_277 : vector<16xf32>
          %parallel_loop3A_279 = arith.index_cast %parallel_loop3A_240 : i32 to index
          %parallel_loop3A_280 = arith.constant 48 : index
          %parallel_loop3A_281 = tpu.vector_load %arg10[%parallel_loop3A_279, %parallel_loop3A_280] {strides = array<i32>} : memref<80x64xi32, #tpu.memory_space<vmem>>, vector<16xi32>,
          %parallel_loop3A_282 = vector.bitcast %parallel_loop3A_281 : vector<16xi32> to vector<32xbf16>
          %parallel_loop3A_283 = arith.index_cast %parallel_loop3A_240 : i32 to index
          %parallel_loop3A_284 = arith.constant 48 : index
          %parallel_loop3A_285 = tpu.vector_load %arg15[%parallel_loop3A_283, %parallel_loop3A_284] {strides = array<i32>} : memref<80x64xi32, #tpu.memory_space<vmem>>, vector<16xi32>,
          %parallel_loop3A_286 = vector.bitcast %parallel_loop3A_285 : vector<16xi32> to vector<32xbf16>
          %parallel_loop3A_287 = arith.mulf %parallel_loop3A_282, %parallel_loop3A_286 : vector<32xbf16>
          %parallel_loop3A_288 = tpu.unpack_subelements %parallel_loop3A_287, 0 {pack_format = #tpu.pack_format<interleaved>} : vector<32xbf16> -> vector<16xf32>
          %parallel_loop3A_289 = tpu.unpack_subelements %parallel_loop3A_287, 1 {pack_format = #tpu.pack_format<interleaved>} : vector<32xbf16> -> vector<16xf32>
          %parallel_loop3A_290 = arith.addf %parallel_loop3A_288, %parallel_loop3A_289 : vector<16xf32>
          %parallel_loop3A_291 = arith.addf %parallel_loop3A_278, %parallel_loop3A_290 : vector<16xf32>
          %parallel_loop3A_292 = vector.broadcast %parallel_loop3A_236 : i32 to vector<16xi32>
          %parallel_loop3A_293 = arith.cmpi eq, %iota3A, %parallel_loop3A_292 : vector<16xi32>
          %parallel_loop3A_294 = arith.constant true
          %parallel_loop3A_295 = vector.broadcast %parallel_loop3A_294 : i1 to vector<16xi1>
          %parallel_loop3A_296 = tpu.scan <sum>, %parallel_loop3A_291 masked %parallel_loop3A_295 : vector<16xf32>, vector<16xi1> -> vector<16xf32>
          %parallel_loop3A_297 = vector.extract %parallel_loop3A_296[15] : f32 from vector<16xf32>
          %parallel_loop3A_298 = vector.broadcast %parallel_loop3A_297 : f32 to vector<16xf32>
          %parallel_loop3A_299 = arith.select %parallel_loop3A_293, %parallel_loop3A_298, %parallel_loop3A_237 : vector<16xi1>, vector<16xf32>
          scf.yield %parallel_loop3A_299 : vector<16xf32>
        } {sc.loop_unroll_factor = 4 : i64, sc.parallel_access}
        %parallel_loop3A_229 = arith.constant 160 : i32
        %parallel_loop3A_230 = arith.addi %multiple_of3A_87, %parallel_loop3A_229 : i32
        %parallel_loop3A_231 = arith.constant 16 : i32
        %parallel_loop3A_232 = arith.muli %parallel_loop3A_222, %parallel_loop3A_231 : i32
        %parallel_loop3A_233 = arith.addi %parallel_loop3A_230, %parallel_loop3A_232 : i32
        %parallel_loop3A_234 = arith.index_cast %parallel_loop3A_233 : i32 to index
        %parallel_loop3A_235 = tpu.vector_load %arg18[%parallel_loop3A_234] {strides = array<i32>} : memref<800xf32, #tpu.memory_space<vmem>>, vector<16xf32>,
        tpu.vector_store %arg18[%parallel_loop3A_234], %parallel_loop3A_228 {strides = array<i32>} : memref<800xf32, #tpu.memory_space<vmem>>, vector<16xf32>,
      } {sc.loop_unroll_factor = 1 : i64, sc.parallel_access}
      %add3A_159 = arith.constant 2 : i32
      %add3A_160 = arith.addi %mul3A_75, %add3A_159 : i32
      %add3A_161 = arith.constant 5 : i32
      %add3A_162 = arith.addi %add3A_160, %add3A_161 : i32
      %lt3A_163 = arith.constant 125 : i32
      %lt3A_164 = arith.cmpi slt, %add3A_162, %lt3A_163 : i32
      %convert_element_type3A_165 = arith.extui %lt3A_164 : i1 to i32
      %cond3A_166 = arith.constant 0 : i32
      %cond3A_167 = arith.cmpi ne, %convert_element_type3A_165, %cond3A_166 : i32
      scf.if %cond3A_167 {
        %add3A_222 = arith.constant 2 : i32
        %add3A_223 = arith.addi %mul3A_75, %add3A_222 : i32
        %add3A_224 = arith.constant 5 : i32
        %add3A_225 = arith.addi %add3A_223, %add3A_224 : i32
        %mul3A_226 = arith.constant 80 : i32
        %mul3A_227 = arith.muli %add3A_225, %mul3A_226 : i32
        %multiple_of3A_228 = tpu.assume_multiple %mul3A_227, 8 : i32
        %dma_start3A_229 = tpu.memref_slice %arg6[%multiple_of3A_228] : memref<10000xi32, #tpu.memory_space<vmem>> -> memref<80xi32, #tpu.memory_space<vmem>>
        %dma_start3A_230 = arith.constant 0 : i32
        %dma_start3A_231 = arith.constant 0 : i32
        %dma_start3A_232 = tpu.memref_slice %arg2[%dma_start3A_230, %dma_start3A_231] : memref<10000x64xi32, #tpu.memory_space<hbm>> -> memref<10000x64xi32, #tpu.memory_space<hbm>>
        tpu.enqueue_indirect_dma source(%dma_start3A_232 : memref<10000x64xi32, #tpu.memory_space<hbm>>) target(%arg10 : memref<80x64xi32, #tpu.memory_space<vmem>>) offsets(%dma_start3A_229 : memref<80xi32, #tpu.memory_space<vmem>>) semaphore(%arg21 : memref<!tpu.dma_semaphore, #tpu.memory_space<semaphore_mem>>)
        %dma_start3A_233 = tpu.memref_slice %arg7[%multiple_of3A_228] : memref<10000xi32, #tpu.memory_space<vmem>> -> memref<80xi32, #tpu.memory_space<vmem>>
        %dma_start3A_234 = arith.constant 0 : i32
        %dma_start3A_235 = arith.constant 0 : i32
        %dma_start3A_236 = tpu.memref_slice %arg2[%dma_start3A_234, %dma_start3A_235] : memref<10000x64xi32, #tpu.memory_space<hbm>> -> memref<10000x64xi32, #tpu.memory_space<hbm>>
        tpu.enqueue_indirect_dma source(%dma_start3A_236 : memref<10000x64xi32, #tpu.memory_space<hbm>>) target(%arg15 : memref<80x64xi32, #tpu.memory_space<vmem>>) offsets(%dma_start3A_233 : memref<80xi32, #tpu.memory_space<vmem>>) semaphore(%arg26 : memref<!tpu.dma_semaphore, #tpu.memory_space<semaphore_mem>>)
      } else {
      }
      %add3A_168 = arith.constant 3 : i32
      %add3A_169 = arith.addi %mul3A_75, %add3A_168 : i32
      %mul3A_170 = arith.constant 80 : i32
      %mul3A_171 = arith.muli %add3A_169, %mul3A_170 : i32
      %multiple_of3A_172 = tpu.assume_multiple %mul3A_171, 8 : i32
      %dma_wait3A_173 = tpu.memref_slice %arg6[%multiple_of3A_172] : memref<10000xi32, #tpu.memory_space<vmem>> -> memref<80xi32, #tpu.memory_space<vmem>>
      %dma_wait3A_174 = arith.constant 0 : i32
      %dma_wait3A_175 = arith.constant 0 : i32
      %dma_wait3A_176 = tpu.memref_slice %arg2[%dma_wait3A_174, %dma_wait3A_175] : memref<10000x64xi32, #tpu.memory_space<hbm>> -> memref<10000x64xi32, #tpu.memory_space<hbm>>
      tpu.wait_indirect_dma semaphore(%arg22 : memref<!tpu.dma_semaphore, #tpu.memory_space<semaphore_mem>>) src(%dma_wait3A_176 : memref<10000x64xi32, #tpu.memory_space<hbm>>) dst(%arg11 : memref<80x64xi32, #tpu.memory_space<vmem>>)
      %dma_wait3A_177 = tpu.memref_slice %arg7[%multiple_of3A_172] : memref<10000xi32, #tpu.memory_space<vmem>> -> memref<80xi32, #tpu.memory_space<vmem>>
      %dma_wait3A_178 = arith.constant 0 : i32
      %dma_wait3A_179 = arith.constant 0 : i32
      %dma_wait3A_180 = tpu.memref_slice %arg2[%dma_wait3A_178, %dma_wait3A_179] : memref<10000x64xi32, #tpu.memory_space<hbm>> -> memref<10000x64xi32, #tpu.memory_space<hbm>>
      tpu.wait_indirect_dma semaphore(%arg27 : memref<!tpu.dma_semaphore, #tpu.memory_space<semaphore_mem>>) src(%dma_wait3A_180 : memref<10000x64xi32, #tpu.memory_space<hbm>>) dst(%arg16 : memref<80x64xi32, #tpu.memory_space<vmem>>)
      %parallel_loop3A_181 = arith.constant 0 : i32
      %parallel_loop3A_182 = arith.constant 5 : i32
      %parallel_loop3A_183 = arith.constant 1 : i32
      scf.for %parallel_loop3A_222 = %parallel_loop3A_181 to %parallel_loop3A_182 step %parallel_loop3A_183  : i32 {
        %parallel_loop3A_223 = arith.constant 0.000000e+00 : f32
        %parallel_loop3A_224 = vector.broadcast %parallel_loop3A_223 : f32 to vector<16xf32>
        %parallel_loop3A_225 = arith.constant 0 : i32
        %parallel_loop3A_226 = arith.constant 16 : i32
        %parallel_loop3A_227 = arith.constant 1 : i32
        %parallel_loop3A_228 = scf.for %parallel_loop3A_236 = %parallel_loop3A_225 to %parallel_loop3A_226 step %parallel_loop3A_227 iter_args(%parallel_loop3A_237 = %parallel_loop3A_224) -> (vector<16xf32>)  : i32 {
          %parallel_loop3A_238 = arith.constant 16 : i32
          %parallel_loop3A_239 = arith.muli %parallel_loop3A_222, %parallel_loop3A_238 : i32
          %parallel_loop3A_240 = arith.addi %parallel_loop3A_239, %parallel_loop3A_236 : i32
          %parallel_loop3A_241 = arith.index_cast %parallel_loop3A_240 : i32 to index
          %parallel_loop3A_242 = arith.constant 0 : index
          %parallel_loop3A_243 = tpu.vector_load %arg11[%parallel_loop3A_241, %parallel_loop3A_242] {strides = array<i32>} : memref<80x64xi32, #tpu.memory_space<vmem>>, vector<16xi32>,
          %parallel_loop3A_244 = vector.bitcast %parallel_loop3A_243 : vector<16xi32> to vector<32xbf16>
          %parallel_loop3A_245 = arith.index_cast %parallel_loop3A_240 : i32 to index
          %parallel_loop3A_246 = arith.constant 0 : index
          %parallel_loop3A_247 = tpu.vector_load %arg16[%parallel_loop3A_245, %parallel_loop3A_246] {strides = array<i32>} : memref<80x64xi32, #tpu.memory_space<vmem>>, vector<16xi32>,
          %parallel_loop3A_248 = vector.bitcast %parallel_loop3A_247 : vector<16xi32> to vector<32xbf16>
          %parallel_loop3A_249 = arith.mulf %parallel_loop3A_244, %parallel_loop3A_248 : vector<32xbf16>
          %parallel_loop3A_250 = tpu.unpack_subelements %parallel_loop3A_249, 0 {pack_format = #tpu.pack_format<interleaved>} : vector<32xbf16> -> vector<16xf32>
          %parallel_loop3A_251 = tpu.unpack_subelements %parallel_loop3A_249, 1 {pack_format = #tpu.pack_format<interleaved>} : vector<32xbf16> -> vector<16xf32>
          %parallel_loop3A_252 = arith.addf %parallel_loop3A_250, %parallel_loop3A_251 : vector<16xf32>
          %parallel_loop3A_253 = arith.index_cast %parallel_loop3A_240 : i32 to index
          %parallel_loop3A_254 = arith.constant 16 : index
          %parallel_loop3A_255 = tpu.vector_load %arg11[%parallel_loop3A_253, %parallel_loop3A_254] {strides = array<i32>} : memref<80x64xi32, #tpu.memory_space<vmem>>, vector<16xi32>,
          %parallel_loop3A_256 = vector.bitcast %parallel_loop3A_255 : vector<16xi32> to vector<32xbf16>
          %parallel_loop3A_257 = arith.index_cast %parallel_loop3A_240 : i32 to index
          %parallel_loop3A_258 = arith.constant 16 : index
          %parallel_loop3A_259 = tpu.vector_load %arg16[%parallel_loop3A_257, %parallel_loop3A_258] {strides = array<i32>} : memref<80x64xi32, #tpu.memory_space<vmem>>, vector<16xi32>,
          %parallel_loop3A_260 = vector.bitcast %parallel_loop3A_259 : vector<16xi32> to vector<32xbf16>
          %parallel_loop3A_261 = arith.mulf %parallel_loop3A_256, %parallel_loop3A_260 : vector<32xbf16>
          %parallel_loop3A_262 = tpu.unpack_subelements %parallel_loop3A_261, 0 {pack_format = #tpu.pack_format<interleaved>} : vector<32xbf16> -> vector<16xf32>
          %parallel_loop3A_263 = tpu.unpack_subelements %parallel_loop3A_261, 1 {pack_format = #tpu.pack_format<interleaved>} : vector<32xbf16> -> vector<16xf32>
          %parallel_loop3A_264 = arith.addf %parallel_loop3A_262, %parallel_loop3A_263 : vector<16xf32>
          %parallel_loop3A_265 = arith.addf %parallel_loop3A_252, %parallel_loop3A_264 : vector<16xf32>
          %parallel_loop3A_266 = arith.index_cast %parallel_loop3A_240 : i32 to index
          %parallel_loop3A_267 = arith.constant 32 : index
          %parallel_loop3A_268 = tpu.vector_load %arg11[%parallel_loop3A_266, %parallel_loop3A_267] {strides = array<i32>} : memref<80x64xi32, #tpu.memory_space<vmem>>, vector<16xi32>,
          %parallel_loop3A_269 = vector.bitcast %parallel_loop3A_268 : vector<16xi32> to vector<32xbf16>
          %parallel_loop3A_270 = arith.index_cast %parallel_loop3A_240 : i32 to index
          %parallel_loop3A_271 = arith.constant 32 : index
          %parallel_loop3A_272 = tpu.vector_load %arg16[%parallel_loop3A_270, %parallel_loop3A_271] {strides = array<i32>} : memref<80x64xi32, #tpu.memory_space<vmem>>, vector<16xi32>,
          %parallel_loop3A_273 = vector.bitcast %parallel_loop3A_272 : vector<16xi32> to vector<32xbf16>
          %parallel_loop3A_274 = arith.mulf %parallel_loop3A_269, %parallel_loop3A_273 : vector<32xbf16>
          %parallel_loop3A_275 = tpu.unpack_subelements %parallel_loop3A_274, 0 {pack_format = #tpu.pack_format<interleaved>} : vector<32xbf16> -> vector<16xf32>
          %parallel_loop3A_276 = tpu.unpack_subelements %parallel_loop3A_274, 1 {pack_format = #tpu.pack_format<interleaved>} : vector<32xbf16> -> vector<16xf32>
          %parallel_loop3A_277 = arith.addf %parallel_loop3A_275, %parallel_loop3A_276 : vector<16xf32>
          %parallel_loop3A_278 = arith.addf %parallel_loop3A_265, %parallel_loop3A_277 : vector<16xf32>
          %parallel_loop3A_279 = arith.index_cast %parallel_loop3A_240 : i32 to index
          %parallel_loop3A_280 = arith.constant 48 : index
          %parallel_loop3A_281 = tpu.vector_load %arg11[%parallel_loop3A_279, %parallel_loop3A_280] {strides = array<i32>} : memref<80x64xi32, #tpu.memory_space<vmem>>, vector<16xi32>,
          %parallel_loop3A_282 = vector.bitcast %parallel_loop3A_281 : vector<16xi32> to vector<32xbf16>
          %parallel_loop3A_283 = arith.index_cast %parallel_loop3A_240 : i32 to index
          %parallel_loop3A_284 = arith.constant 48 : index
          %parallel_loop3A_285 = tpu.vector_load %arg16[%parallel_loop3A_283, %parallel_loop3A_284] {strides = array<i32>} : memref<80x64xi32, #tpu.memory_space<vmem>>, vector<16xi32>,
          %parallel_loop3A_286 = vector.bitcast %parallel_loop3A_285 : vector<16xi32> to vector<32xbf16>
          %parallel_loop3A_287 = arith.mulf %parallel_loop3A_282, %parallel_loop3A_286 : vector<32xbf16>
          %parallel_loop3A_288 = tpu.unpack_subelements %parallel_loop3A_287, 0 {pack_format = #tpu.pack_format<interleaved>} : vector<32xbf16> -> vector<16xf32>
          %parallel_loop3A_289 = tpu.unpack_subelements %parallel_loop3A_287, 1 {pack_format = #tpu.pack_format<interleaved>} : vector<32xbf16> -> vector<16xf32>
          %parallel_loop3A_290 = arith.addf %parallel_loop3A_288, %parallel_loop3A_289 : vector<16xf32>
          %parallel_loop3A_291 = arith.addf %parallel_loop3A_278, %parallel_loop3A_290 : vector<16xf32>
          %parallel_loop3A_292 = vector.broadcast %parallel_loop3A_236 : i32 to vector<16xi32>
          %parallel_loop3A_293 = arith.cmpi eq, %iota3A, %parallel_loop3A_292 : vector<16xi32>
          %parallel_loop3A_294 = arith.constant true
          %parallel_loop3A_295 = vector.broadcast %parallel_loop3A_294 : i1 to vector<16xi1>
          %parallel_loop3A_296 = tpu.scan <sum>, %parallel_loop3A_291 masked %parallel_loop3A_295 : vector<16xf32>, vector<16xi1> -> vector<16xf32>
          %parallel_loop3A_297 = vector.extract %parallel_loop3A_296[15] : f32 from vector<16xf32>
          %parallel_loop3A_298 = vector.broadcast %parallel_loop3A_297 : f32 to vector<16xf32>
          %parallel_loop3A_299 = arith.select %parallel_loop3A_293, %parallel_loop3A_298, %parallel_loop3A_237 : vector<16xi1>, vector<16xf32>
          scf.yield %parallel_loop3A_299 : vector<16xf32>
        } {sc.loop_unroll_factor = 4 : i64, sc.parallel_access}
        %parallel_loop3A_229 = arith.constant 240 : i32
        %parallel_loop3A_230 = arith.addi %multiple_of3A_87, %parallel_loop3A_229 : i32
        %parallel_loop3A_231 = arith.constant 16 : i32
        %parallel_loop3A_232 = arith.muli %parallel_loop3A_222, %parallel_loop3A_231 : i32
        %parallel_loop3A_233 = arith.addi %parallel_loop3A_230, %parallel_loop3A_232 : i32
        %parallel_loop3A_234 = arith.index_cast %parallel_loop3A_233 : i32 to index
        %parallel_loop3A_235 = tpu.vector_load %arg18[%parallel_loop3A_234] {strides = array<i32>} : memref<800xf32, #tpu.memory_space<vmem>>, vector<16xf32>,
        tpu.vector_store %arg18[%parallel_loop3A_234], %parallel_loop3A_228 {strides = array<i32>} : memref<800xf32, #tpu.memory_space<vmem>>, vector<16xf32>,
      } {sc.loop_unroll_factor = 1 : i64, sc.parallel_access}
      %add3A_184 = arith.constant 3 : i32
      %add3A_185 = arith.addi %mul3A_75, %add3A_184 : i32
      %add3A_186 = arith.constant 5 : i32
      %add3A_187 = arith.addi %add3A_185, %add3A_186 : i32
      %lt3A_188 = arith.constant 125 : i32
      %lt3A_189 = arith.cmpi slt, %add3A_187, %lt3A_188 : i32
      %convert_element_type3A_190 = arith.extui %lt3A_189 : i1 to i32
      %cond3A_191 = arith.constant 0 : i32
      %cond3A_192 = arith.cmpi ne, %convert_element_type3A_190, %cond3A_191 : i32
      scf.if %cond3A_192 {
        %add3A_222 = arith.constant 3 : i32
        %add3A_223 = arith.addi %mul3A_75, %add3A_222 : i32
        %add3A_224 = arith.constant 5 : i32
        %add3A_225 = arith.addi %add3A_223, %add3A_224 : i32
        %mul3A_226 = arith.constant 80 : i32
        %mul3A_227 = arith.muli %add3A_225, %mul3A_226 : i32
        %multiple_of3A_228 = tpu.assume_multiple %mul3A_227, 8 : i32
        %dma_start3A_229 = tpu.memref_slice %arg6[%multiple_of3A_228] : memref<10000xi32, #tpu.memory_space<vmem>> -> memref<80xi32, #tpu.memory_space<vmem>>
        %dma_start3A_230 = arith.constant 0 : i32
        %dma_start3A_231 = arith.constant 0 : i32
        %dma_start3A_232 = tpu.memref_slice %arg2[%dma_start3A_230, %dma_start3A_231] : memref<10000x64xi32, #tpu.memory_space<hbm>> -> memref<10000x64xi32, #tpu.memory_space<hbm>>
        tpu.enqueue_indirect_dma source(%dma_start3A_232 : memref<10000x64xi32, #tpu.memory_space<hbm>>) target(%arg11 : memref<80x64xi32, #tpu.memory_space<vmem>>) offsets(%dma_start3A_229 : memref<80xi32, #tpu.memory_space<vmem>>) semaphore(%arg22 : memref<!tpu.dma_semaphore, #tpu.memory_space<semaphore_mem>>)
        %dma_start3A_233 = tpu.memref_slice %arg7[%multiple_of3A_228] : memref<10000xi32, #tpu.memory_space<vmem>> -> memref<80xi32, #tpu.memory_space<vmem>>
        %dma_start3A_234 = arith.constant 0 : i32
        %dma_start3A_235 = arith.constant 0 : i32
        %dma_start3A_236 = tpu.memref_slice %arg2[%dma_start3A_234, %dma_start3A_235] : memref<10000x64xi32, #tpu.memory_space<hbm>> -> memref<10000x64xi32, #tpu.memory_space<hbm>>
        tpu.enqueue_indirect_dma source(%dma_start3A_236 : memref<10000x64xi32, #tpu.memory_space<hbm>>) target(%arg16 : memref<80x64xi32, #tpu.memory_space<vmem>>) offsets(%dma_start3A_233 : memref<80xi32, #tpu.memory_space<vmem>>) semaphore(%arg27 : memref<!tpu.dma_semaphore, #tpu.memory_space<semaphore_mem>>)
      } else {
      }
      %add3A_193 = arith.constant 4 : i32
      %add3A_194 = arith.addi %mul3A_75, %add3A_193 : i32
      %mul3A_195 = arith.constant 80 : i32
      %mul3A_196 = arith.muli %add3A_194, %mul3A_195 : i32
      %multiple_of3A_197 = tpu.assume_multiple %mul3A_196, 8 : i32
      %dma_wait3A_198 = tpu.memref_slice %arg6[%multiple_of3A_197] : memref<10000xi32, #tpu.memory_space<vmem>> -> memref<80xi32, #tpu.memory_space<vmem>>
      %dma_wait3A_199 = arith.constant 0 : i32
      %dma_wait3A_200 = arith.constant 0 : i32
      %dma_wait3A_201 = tpu.memref_slice %arg2[%dma_wait3A_199, %dma_wait3A_200] : memref<10000x64xi32, #tpu.memory_space<hbm>> -> memref<10000x64xi32, #tpu.memory_space<hbm>>
      tpu.wait_indirect_dma semaphore(%arg23 : memref<!tpu.dma_semaphore, #tpu.memory_space<semaphore_mem>>) src(%dma_wait3A_201 : memref<10000x64xi32, #tpu.memory_space<hbm>>) dst(%arg12 : memref<80x64xi32, #tpu.memory_space<vmem>>)
      %dma_wait3A_202 = tpu.memref_slice %arg7[%multiple_of3A_197] : memref<10000xi32, #tpu.memory_space<vmem>> -> memref<80xi32, #tpu.memory_space<vmem>>
      %dma_wait3A_203 = arith.constant 0 : i32
      %dma_wait3A_204 = arith.constant 0 : i32
      %dma_wait3A_205 = tpu.memref_slice %arg2[%dma_wait3A_203, %dma_wait3A_204] : memref<10000x64xi32, #tpu.memory_space<hbm>> -> memref<10000x64xi32, #tpu.memory_space<hbm>>
      tpu.wait_indirect_dma semaphore(%arg28 : memref<!tpu.dma_semaphore, #tpu.memory_space<semaphore_mem>>) src(%dma_wait3A_205 : memref<10000x64xi32, #tpu.memory_space<hbm>>) dst(%arg17 : memref<80x64xi32, #tpu.memory_space<vmem>>)
      %parallel_loop3A_206 = arith.constant 0 : i32
      %parallel_loop3A_207 = arith.constant 5 : i32
      %parallel_loop3A_208 = arith.constant 1 : i32
      scf.for %parallel_loop3A_222 = %parallel_loop3A_206 to %parallel_loop3A_207 step %parallel_loop3A_208  : i32 {
        %parallel_loop3A_223 = arith.constant 0.000000e+00 : f32
        %parallel_loop3A_224 = vector.broadcast %parallel_loop3A_223 : f32 to vector<16xf32>
        %parallel_loop3A_225 = arith.constant 0 : i32
        %parallel_loop3A_226 = arith.constant 16 : i32
        %parallel_loop3A_227 = arith.constant 1 : i32
        %parallel_loop3A_228 = scf.for %parallel_loop3A_236 = %parallel_loop3A_225 to %parallel_loop3A_226 step %parallel_loop3A_227 iter_args(%parallel_loop3A_237 = %parallel_loop3A_224) -> (vector<16xf32>)  : i32 {
          %parallel_loop3A_238 = arith.constant 16 : i32
          %parallel_loop3A_239 = arith.muli %parallel_loop3A_222, %parallel_loop3A_238 : i32
          %parallel_loop3A_240 = arith.addi %parallel_loop3A_239, %parallel_loop3A_236 : i32
          %parallel_loop3A_241 = arith.index_cast %parallel_loop3A_240 : i32 to index
          %parallel_loop3A_242 = arith.constant 0 : index
          %parallel_loop3A_243 = tpu.vector_load %arg12[%parallel_loop3A_241, %parallel_loop3A_242] {strides = array<i32>} : memref<80x64xi32, #tpu.memory_space<vmem>>, vector<16xi32>,
          %parallel_loop3A_244 = vector.bitcast %parallel_loop3A_243 : vector<16xi32> to vector<32xbf16>
          %parallel_loop3A_245 = arith.index_cast %parallel_loop3A_240 : i32 to index
          %parallel_loop3A_246 = arith.constant 0 : index
          %parallel_loop3A_247 = tpu.vector_load %arg17[%parallel_loop3A_245, %parallel_loop3A_246] {strides = array<i32>} : memref<80x64xi32, #tpu.memory_space<vmem>>, vector<16xi32>,
          %parallel_loop3A_248 = vector.bitcast %parallel_loop3A_247 : vector<16xi32> to vector<32xbf16>
          %parallel_loop3A_249 = arith.mulf %parallel_loop3A_244, %parallel_loop3A_248 : vector<32xbf16>
          %parallel_loop3A_250 = tpu.unpack_subelements %parallel_loop3A_249, 0 {pack_format = #tpu.pack_format<interleaved>} : vector<32xbf16> -> vector<16xf32>
          %parallel_loop3A_251 = tpu.unpack_subelements %parallel_loop3A_249, 1 {pack_format = #tpu.pack_format<interleaved>} : vector<32xbf16> -> vector<16xf32>
          %parallel_loop3A_252 = arith.addf %parallel_loop3A_250, %parallel_loop3A_251 : vector<16xf32>
          %parallel_loop3A_253 = arith.index_cast %parallel_loop3A_240 : i32 to index
          %parallel_loop3A_254 = arith.constant 16 : index
          %parallel_loop3A_255 = tpu.vector_load %arg12[%parallel_loop3A_253, %parallel_loop3A_254] {strides = array<i32>} : memref<80x64xi32, #tpu.memory_space<vmem>>, vector<16xi32>,
          %parallel_loop3A_256 = vector.bitcast %parallel_loop3A_255 : vector<16xi32> to vector<32xbf16>
          %parallel_loop3A_257 = arith.index_cast %parallel_loop3A_240 : i32 to index
          %parallel_loop3A_258 = arith.constant 16 : index
          %parallel_loop3A_259 = tpu.vector_load %arg17[%parallel_loop3A_257, %parallel_loop3A_258] {strides = array<i32>} : memref<80x64xi32, #tpu.memory_space<vmem>>, vector<16xi32>,
          %parallel_loop3A_260 = vector.bitcast %parallel_loop3A_259 : vector<16xi32> to vector<32xbf16>
          %parallel_loop3A_261 = arith.mulf %parallel_loop3A_256, %parallel_loop3A_260 : vector<32xbf16>
          %parallel_loop3A_262 = tpu.unpack_subelements %parallel_loop3A_261, 0 {pack_format = #tpu.pack_format<interleaved>} : vector<32xbf16> -> vector<16xf32>
          %parallel_loop3A_263 = tpu.unpack_subelements %parallel_loop3A_261, 1 {pack_format = #tpu.pack_format<interleaved>} : vector<32xbf16> -> vector<16xf32>
          %parallel_loop3A_264 = arith.addf %parallel_loop3A_262, %parallel_loop3A_263 : vector<16xf32>
          %parallel_loop3A_265 = arith.addf %parallel_loop3A_252, %parallel_loop3A_264 : vector<16xf32>
          %parallel_loop3A_266 = arith.index_cast %parallel_loop3A_240 : i32 to index
          %parallel_loop3A_267 = arith.constant 32 : index
          %parallel_loop3A_268 = tpu.vector_load %arg12[%parallel_loop3A_266, %parallel_loop3A_267] {strides = array<i32>} : memref<80x64xi32, #tpu.memory_space<vmem>>, vector<16xi32>,
          %parallel_loop3A_269 = vector.bitcast %parallel_loop3A_268 : vector<16xi32> to vector<32xbf16>
          %parallel_loop3A_270 = arith.index_cast %parallel_loop3A_240 : i32 to index
          %parallel_loop3A_271 = arith.constant 32 : index
          %parallel_loop3A_272 = tpu.vector_load %arg17[%parallel_loop3A_270, %parallel_loop3A_271] {strides = array<i32>} : memref<80x64xi32, #tpu.memory_space<vmem>>, vector<16xi32>,
          %parallel_loop3A_273 = vector.bitcast %parallel_loop3A_272 : vector<16xi32> to vector<32xbf16>
          %parallel_loop3A_274 = arith.mulf %parallel_loop3A_269, %parallel_loop3A_273 : vector<32xbf16>
          %parallel_loop3A_275 = tpu.unpack_subelements %parallel_loop3A_274, 0 {pack_format = #tpu.pack_format<interleaved>} : vector<32xbf16> -> vector<16xf32>
          %parallel_loop3A_276 = tpu.unpack_subelements %parallel_loop3A_274, 1 {pack_format = #tpu.pack_format<interleaved>} : vector<32xbf16> -> vector<16xf32>
          %parallel_loop3A_277 = arith.addf %parallel_loop3A_275, %parallel_loop3A_276 : vector<16xf32>
          %parallel_loop3A_278 = arith.addf %parallel_loop3A_265, %parallel_loop3A_277 : vector<16xf32>
          %parallel_loop3A_279 = arith.index_cast %parallel_loop3A_240 : i32 to index
          %parallel_loop3A_280 = arith.constant 48 : index
          %parallel_loop3A_281 = tpu.vector_load %arg12[%parallel_loop3A_279, %parallel_loop3A_280] {strides = array<i32>} : memref<80x64xi32, #tpu.memory_space<vmem>>, vector<16xi32>,
          %parallel_loop3A_282 = vector.bitcast %parallel_loop3A_281 : vector<16xi32> to vector<32xbf16>
          %parallel_loop3A_283 = arith.index_cast %parallel_loop3A_240 : i32 to index
          %parallel_loop3A_284 = arith.constant 48 : index
          %parallel_loop3A_285 = tpu.vector_load %arg17[%parallel_loop3A_283, %parallel_loop3A_284] {strides = array<i32>} : memref<80x64xi32, #tpu.memory_space<vmem>>, vector<16xi32>,
          %parallel_loop3A_286 = vector.bitcast %parallel_loop3A_285 : vector<16xi32> to vector<32xbf16>
          %parallel_loop3A_287 = arith.mulf %parallel_loop3A_282, %parallel_loop3A_286 : vector<32xbf16>
          %parallel_loop3A_288 = tpu.unpack_subelements %parallel_loop3A_287, 0 {pack_format = #tpu.pack_format<interleaved>} : vector<32xbf16> -> vector<16xf32>
          %parallel_loop3A_289 = tpu.unpack_subelements %parallel_loop3A_287, 1 {pack_format = #tpu.pack_format<interleaved>} : vector<32xbf16> -> vector<16xf32>
          %parallel_loop3A_290 = arith.addf %parallel_loop3A_288, %parallel_loop3A_289 : vector<16xf32>
          %parallel_loop3A_291 = arith.addf %parallel_loop3A_278, %parallel_loop3A_290 : vector<16xf32>
          %parallel_loop3A_292 = vector.broadcast %parallel_loop3A_236 : i32 to vector<16xi32>
          %parallel_loop3A_293 = arith.cmpi eq, %iota3A, %parallel_loop3A_292 : vector<16xi32>
          %parallel_loop3A_294 = arith.constant true
          %parallel_loop3A_295 = vector.broadcast %parallel_loop3A_294 : i1 to vector<16xi1>
          %parallel_loop3A_296 = tpu.scan <sum>, %parallel_loop3A_291 masked %parallel_loop3A_295 : vector<16xf32>, vector<16xi1> -> vector<16xf32>
          %parallel_loop3A_297 = vector.extract %parallel_loop3A_296[15] : f32 from vector<16xf32>
          %parallel_loop3A_298 = vector.broadcast %parallel_loop3A_297 : f32 to vector<16xf32>
          %parallel_loop3A_299 = arith.select %parallel_loop3A_293, %parallel_loop3A_298, %parallel_loop3A_237 : vector<16xi1>, vector<16xf32>
          scf.yield %parallel_loop3A_299 : vector<16xf32>
        } {sc.loop_unroll_factor = 4 : i64, sc.parallel_access}
        %parallel_loop3A_229 = arith.constant 320 : i32
        %parallel_loop3A_230 = arith.addi %multiple_of3A_87, %parallel_loop3A_229 : i32
        %parallel_loop3A_231 = arith.constant 16 : i32
        %parallel_loop3A_232 = arith.muli %parallel_loop3A_222, %parallel_loop3A_231 : i32
        %parallel_loop3A_233 = arith.addi %parallel_loop3A_230, %parallel_loop3A_232 : i32
        %parallel_loop3A_234 = arith.index_cast %parallel_loop3A_233 : i32 to index
        %parallel_loop3A_235 = tpu.vector_load %arg18[%parallel_loop3A_234] {strides = array<i32>} : memref<800xf32, #tpu.memory_space<vmem>>, vector<16xf32>,
        tpu.vector_store %arg18[%parallel_loop3A_234], %parallel_loop3A_228 {strides = array<i32>} : memref<800xf32, #tpu.memory_space<vmem>>, vector<16xf32>,
      } {sc.loop_unroll_factor = 1 : i64, sc.parallel_access}
      %add3A_209 = arith.constant 4 : i32
      %add3A_210 = arith.addi %mul3A_75, %add3A_209 : i32
      %add3A_211 = arith.constant 5 : i32
      %add3A_212 = arith.addi %add3A_210, %add3A_211 : i32
      %lt3A_213 = arith.constant 125 : i32
      %lt3A_214 = arith.cmpi slt, %add3A_212, %lt3A_213 : i32
      %convert_element_type3A_215 = arith.extui %lt3A_214 : i1 to i32
      %cond3A_216 = arith.constant 0 : i32
      %cond3A_217 = arith.cmpi ne, %convert_element_type3A_215, %cond3A_216 : i32
      scf.if %cond3A_217 {
        %add3A_222 = arith.constant 4 : i32
        %add3A_223 = arith.addi %mul3A_75, %add3A_222 : i32
        %add3A_224 = arith.constant 5 : i32
        %add3A_225 = arith.addi %add3A_223, %add3A_224 : i32
        %mul3A_226 = arith.constant 80 : i32
        %mul3A_227 = arith.muli %add3A_225, %mul3A_226 : i32
        %multiple_of3A_228 = tpu.assume_multiple %mul3A_227, 8 : i32
        %dma_start3A_229 = tpu.memref_slice %arg6[%multiple_of3A_228] : memref<10000xi32, #tpu.memory_space<vmem>> -> memref<80xi32, #tpu.memory_space<vmem>>
        %dma_start3A_230 = arith.constant 0 : i32
        %dma_start3A_231 = arith.constant 0 : i32
        %dma_start3A_232 = tpu.memref_slice %arg2[%dma_start3A_230, %dma_start3A_231] : memref<10000x64xi32, #tpu.memory_space<hbm>> -> memref<10000x64xi32, #tpu.memory_space<hbm>>
        tpu.enqueue_indirect_dma source(%dma_start3A_232 : memref<10000x64xi32, #tpu.memory_space<hbm>>) target(%arg12 : memref<80x64xi32, #tpu.memory_space<vmem>>) offsets(%dma_start3A_229 : memref<80xi32, #tpu.memory_space<vmem>>) semaphore(%arg23 : memref<!tpu.dma_semaphore, #tpu.memory_space<semaphore_mem>>)
        %dma_start3A_233 = tpu.memref_slice %arg7[%multiple_of3A_228] : memref<10000xi32, #tpu.memory_space<vmem>> -> memref<80xi32, #tpu.memory_space<vmem>>
        %dma_start3A_234 = arith.constant 0 : i32
        %dma_start3A_235 = arith.constant 0 : i32
        %dma_start3A_236 = tpu.memref_slice %arg2[%dma_start3A_234, %dma_start3A_235] : memref<10000x64xi32, #tpu.memory_space<hbm>> -> memref<10000x64xi32, #tpu.memory_space<hbm>>
        tpu.enqueue_indirect_dma source(%dma_start3A_236 : memref<10000x64xi32, #tpu.memory_space<hbm>>) target(%arg17 : memref<80x64xi32, #tpu.memory_space<vmem>>) offsets(%dma_start3A_233 : memref<80xi32, #tpu.memory_space<vmem>>) semaphore(%arg28 : memref<!tpu.dma_semaphore, #tpu.memory_space<semaphore_mem>>)
      } else {
      }
      %dma_start3A_218 = tpu.memref_slice %arg18[%multiple_of3A_87] : memref<800xf32, #tpu.memory_space<vmem>> -> memref<400xf32, #tpu.memory_space<vmem>>
      %dma_start3A_219 = tpu.memref_slice %arg5[%multiple_of3A_91] : memref<320000xf32, #tpu.memory_space<hbm>> -> memref<400xf32, #tpu.memory_space<hbm>>
      %dma_start3A_220 = tpu.memref_slice %arg5[%multiple_of3A_91] : memref<320000xf32, #tpu.memory_space<hbm>> -> memref<400xf32, #tpu.memory_space<hbm>>
      %dma_start3A_221 = tpu.memref_slice %arg18[%multiple_of3A_87] : memref<800xf32, #tpu.memory_space<vmem>> -> memref<400xf32, #tpu.memory_space<vmem>>
      tpu.enqueue_dma source(%dma_start3A_221 : memref<400xf32, #tpu.memory_space<vmem>>) target(%dma_start3A_220 : memref<400xf32, #tpu.memory_space<hbm>>) target_semaphore(%arg29 : memref<!tpu.dma_semaphore, #tpu.memory_space<semaphore_mem>>)
    }
    %scan3A_55 = arith.constant 25 : i32
    %multiple_of3A_56 = arith.constant 400 : i32
    %multiple_of3A_57 = tpu.assume_multiple %multiple_of3A_56, 8 : i32
    %add3A_58 = arith.constant 9200 : i32
    %add3A_59 = arith.addi %mul3A_2, %add3A_58 : i32
    %multiple_of3A_60 = tpu.assume_multiple %add3A_59, 8 : i32
    %dma_wait3A = tpu.memref_slice %arg18[%multiple_of3A_57] : memref<800xf32, #tpu.memory_space<vmem>> -> memref<400xf32, #tpu.memory_space<vmem>>
    %dma_wait3A_61 = tpu.memref_slice %arg5[%multiple_of3A_60] : memref<320000xf32, #tpu.memory_space<hbm>> -> memref<400xf32, #tpu.memory_space<hbm>>
    %dma_wait3A_62 = tpu.memref_slice %arg5[%multiple_of3A_60] : memref<320000xf32, #tpu.memory_space<hbm>> -> memref<400xf32, #tpu.memory_space<hbm>>
    %dma_wait3A_63 = tpu.memref_slice %arg18[%multiple_of3A_57] : memref<800xf32, #tpu.memory_space<vmem>> -> memref<400xf32, #tpu.memory_space<vmem>>
    tpu.wait_dma2 semaphore(%arg29 : memref<!tpu.dma_semaphore, #tpu.memory_space<semaphore_mem>>) src(%dma_wait3A_63 : memref<400xf32, #tpu.memory_space<vmem>>) dst(%dma_wait3A_62 : memref<400xf32, #tpu.memory_space<hbm>>)
    %multiple_of3A_64 = arith.constant 0 : i32
    %multiple_of3A_65 = tpu.assume_multiple %multiple_of3A_64, 8 : i32
    %add3A_66 = arith.constant 9600 : i32
    %add3A_67 = arith.addi %mul3A_2, %add3A_66 : i32
    %multiple_of3A_68 = tpu.assume_multiple %add3A_67, 8 : i32
    %dma_wait3A_69 = tpu.memref_slice %arg18[%multiple_of3A_65] : memref<800xf32, #tpu.memory_space<vmem>> -> memref<400xf32, #tpu.memory_space<vmem>>
    %dma_wait3A_70 = tpu.memref_slice %arg5[%multiple_of3A_68] : memref<320000xf32, #tpu.memory_space<hbm>> -> memref<400xf32, #tpu.memory_space<hbm>>
    %dma_wait3A_71 = tpu.memref_slice %arg5[%multiple_of3A_68] : memref<320000xf32, #tpu.memory_space<hbm>> -> memref<400xf32, #tpu.memory_space<hbm>>
    %dma_wait3A_72 = tpu.memref_slice %arg18[%multiple_of3A_65] : memref<800xf32, #tpu.memory_space<vmem>> -> memref<400xf32, #tpu.memory_space<vmem>>
    tpu.wait_dma2 semaphore(%arg29 : memref<!tpu.dma_semaphore, #tpu.memory_space<semaphore_mem>>) src(%dma_wait3A_72 : memref<400xf32, #tpu.memory_space<vmem>>) dst(%dma_wait3A_71 : memref<400xf32, #tpu.memory_space<hbm>>)
    return
  }
}

</mosaic_0001>

<sc_bundles>
// kernel: kernel.3.cloned.1.call-start
scs
__scs_entry_jumppad:
0x0: {  	(pc) =	sbr.rel $0x88, $3  }
0x1: {  	(tag) =	ssettag $0x0;
	lr =	simm.s32 $0x1  }
0x2: {  	[smem:$0x3F9E] =	sst lr;
	_ =	strace $0xD0000000  }
0x3: {  	_ = 	snop  }
0x4: {  	_ = 	snop  }
0x5: {  	_ = 	snop  }
0x6: {  	_ = 	snop  }
0x7: {  	_ = 	snop  }
__scs_overlays_trampoline_lowered:
0x8: {  	[smem:$0x3FAD] =	sst s0  }
0x9: {  	[smem:$0x3FAE] =	sst s1  }
0xa: {  	[smem:$0x3FAF] =	sst s2  }
0xb: {  	[smem:$0x3FB0] =	sst s3  }
0xc: {  	[smem:$0x3FB1] =	sst s4  }
0xd: {  	[smem:$0x3FB2] =	sst s5  }
0xe: {  	[smem:$0x3FB3] =	sst s6  }
0xf: {  	[smem:$0x3FB4] =	sst s7  }
0x10: {  	[smem:$0x3FB5] =	sst s8  }
0x11: {  	[smem:$0x3FB6] =	sst s9;
	s0 =	simm.s32 @!p0 $0x0  }
0x12: {  	s1 =	sld [smem:$0x3F9C];
	s0 =	simm.s32 @p0 $0x1  }
0x13: {  	[smem:$0x3FB7] =	sst s0;
	s0 =	simm.s32 @!p1 $0x0  }
0x14: {  	s2 =	sld [smem:$0x3F9B];
	s0 =	simm.s32 @p1 $0x1  }
0x15: {  	[smem:$0x3FB8] =	sst s0;
	s0 =	simm.s32 @!p2 $0x0  }
0x16: {  	s3 =	sld [smem:$0x3FDB];
	s0 =	simm.s32 @p2 $0x1  }
0x17: {  	s4 =	simm.s32 $0x1BF5;
	[smem:$0x3FBA] =	sst s0  }
0x18: {  	s0 =	sld [smem:$0x3F9D];
	_ =	swait.ge [sflag:s4], $0x0  }
0x19: {  	s7 =	sld [smem:$0x3F9E]  }
0x1a: {  	s8 =	sadd.s32 $0xFFFFE003, lr  }
0x1b: {  	s9 =	sadd.s32 $0xFFFFFEF7, lr;
	s5 =	simm.s32 $0xFFFFFFFF;
	p2 =	slt.u32 s8, $0xFFFFF086  }
0x1c: {  	p1 =	slt.u32 s9, $0xF7A;
	s5 =	simm.s32 @!p2 $0x0  }
0x1d: {  	s5 =	simm.s32 @p1 $0x1;
	p0 =	seq.s32 s7, s2  }
0x1e: {  	s7 =	smul.u32 @!p0 $0xF7A, s2;
	p2 =	seq.s32 @!p0 s5, $0x0  }
0x1f: {  	s9 =	smul.u32 $0xF7A, s1;
	s8 =	simm.s32 @!p0 $0x1BF5;
	p2 =	por !p2, p0  }
0x20: {  	[sflag:s8] =	ssyncset.s32 @!p0 $0xFFFFF086;
	s6 =	sadd.s32 @!p0 s3, s7;
	s7 =	simm.s32 @!p0 $0x108  }
0x21: {  	s3 =	sadd.s32 s3, s9;
	s6 =	sadd.s32 @!p0 $0x88, s6;
	s7 =	simm.s32 @p2 $0x1082  }
0x22: {  	[simem:s7], [sflag:s8] =	dma.local @!p0 [hbm:s6], $0xF7A  }
0x23: {  	s9 =	sor.u32 $0xD0000000, s2;
	s6 =	simm.s32 $0x108;
	_ =	swait.ge @!p0 [sflag:s8], $0x0  }
0x24: {  	s3 =	sadd.s32 $0x88, s3;
	s6 =	simm.s32 @!p1 $0x1082;
	[sflag:s4] =	ssyncset.s32 $0xFFFFF086  }
0x25: {  	[simem:s6], [sflag:s4] =	dma.local [hbm:s3], $0xF7A  }
0x26: {  	[smem:$0x3F9E] =	sst s1;
	(tag) =	ssettag s2;
	_ =	strace s9  }
0x27: {  	s1 =	sld [smem:$0x3FAE]  }
0x28: {  	s2 =	sld [smem:$0x3FAF]  }
0x29: {  	s4 =	sld [smem:$0x3FB1]  }
0x2a: {  	p0 =	seq.s32 s5, $0x0;
	s5 =	sld [smem:$0x3FB2]  }
0x2b: {  	s6 =	sld [smem:$0x3FB3]  }
0x2c: {  	s7 =	sld [smem:$0x3FB4]  }
0x2d: {  	s3 =	simm.s32 $0x108;
	s8 =	sld [smem:$0x3FB5]  }
0x2e: {  	s3 =	simm.s32 @!p0 $0x1082;
	s9 =	sld [smem:$0x3FB6]  }
0x2f: {  	lr =	sadd.s32 s0, s3;
	s0 =	sld [smem:$0x3FAD]  }
0x30: {  	s3 =	sld [smem:$0x3FB0]  }
0x31: {  	[smem:$0x3FB9] =	sst s10  }
0x32: {  	s10 =	sld [smem:$0x3FB7];
	_ =	sdelay $0x3  }
0x33: {  	p0 =	seq.s32 s10, $0x1;
	s10 =	sld [smem:$0x3FB9];
	_ =	sdelay $0x3  }
0x34: {  	[smem:$0x3FB9] =	sst s10  }
0x35: {  	s10 =	sld [smem:$0x3FB8];
	_ =	sdelay $0x3  }
0x36: {  	p1 =	seq.s32 s10, $0x1;
	s10 =	sld [smem:$0x3FB9];
	_ =	sdelay $0x3  }
0x37: {  	[smem:$0x3FB9] =	sst s10  }
0x38: {  	s10 =	sld [smem:$0x3FBA]  }
0x39: {  	_ = 	snop;
	(pc) =	sbr.ind lr, $3  }
0x3a: {  	_ = 	snop  }
0x3b: {  	_ = 	snop  }
0x3c: {  	p2 =	seq.s32 s10, $0x1;
	s10 =	sld [smem:$0x3FB9]  }
0x3d: {  	_ =	shalt  }
0x3e: {  	_ =	shalt  }
0x3f: {  	_ =	shalt  }
0x40: {  	_ =	shalt  }
0x41: {  	_ =	shalt  }
0x42: {  	_ =	shalt  }
0x43: {  	_ =	shalt  }
0x44: {  	_ =	shalt  }
0x45: {  	_ =	shalt  }
0x46: {  	_ =	shalt  }
0x47: {  	_ =	shalt  }
0x48: {  	_ =	shalt  }
0x49: {  	_ =	shalt  }
0x4a: {  	_ =	shalt  }
0x4b: {  	_ =	shalt  }
0x4c: {  	_ =	shalt  }
0x4d: {  	_ =	shalt  }
0x4e: {  	_ =	shalt  }
0x4f: {  	_ =	shalt  }
0x50: {  	_ =	shalt  }
0x51: {  	_ =	shalt  }
0x52: {  	_ =	shalt  }
0x53: {  	_ =	shalt  }
0x54: {  	_ =	shalt  }
0x55: {  	_ =	shalt  }
0x56: {  	_ =	shalt  }
0x57: {  	_ =	shalt  }
0x58: {  	_ =	shalt  }
0x59: {  	_ =	shalt  }
0x5a: {  	_ =	shalt  }
0x5b: {  	_ =	shalt  }
0x5c: {  	_ =	shalt  }
0x5d: {  	_ =	shalt  }
0x5e: {  	_ =	shalt  }
0x5f: {  	_ =	shalt  }
0x60: {  	_ =	shalt  }
0x61: {  	_ =	shalt  }
0x62: {  	_ =	shalt  }
0x63: {  	_ =	shalt  }
0x64: {  	_ =	shalt  }
0x65: {  	_ =	shalt  }
0x66: {  	_ =	shalt  }
0x67: {  	_ =	shalt  }
0x68: {  	_ =	shalt  }
0x69: {  	_ =	shalt  }
0x6a: {  	_ =	shalt  }
0x6b: {  	_ =	shalt  }
0x6c: {  	_ =	shalt  }
0x6d: {  	_ =	shalt  }
0x6e: {  	_ =	shalt  }
0x6f: {  	_ =	shalt  }
0x70: {  	_ =	shalt  }
0x71: {  	_ =	shalt  }
0x72: {  	_ =	shalt  }
0x73: {  	_ =	shalt  }
0x74: {  	_ =	shalt  }
0x75: {  	_ =	shalt  }
0x76: {  	_ =	shalt  }
0x77: {  	_ =	shalt  }
0x78: {  	_ =	shalt  }
0x79: {  	_ =	shalt  }
0x7a: {  	_ =	shalt  }
0x7b: {  	_ =	shalt  }
0x7c: {  	_ =	shalt  }
0x7d: {  	_ =	shalt  }
0x7e: {  	_ =	shalt  }
0x7f: {  	_ =	shalt  }
0x80: {  	_ =	shalt  }
0x81: {  	_ =	shalt  }
0x82: {  	_ =	shalt  }
0x83: {  	_ =	shalt  }
0x84: {  	_ =	shalt  }
0x85: {  	_ =	shalt  }
0x86: {  	_ =	shalt  }
0x87: {  	_ =	shalt  }
.Lfunc_end0:
.L_simem_size_0:
called_computation_lowered:
.L_overlay_start_0:
0x88: {  	s2 =	sld [smem:$0x3FD9]  }
0x89: {  	s3 =	sld [smem:$0x3FFE];
	_ =	sdelay $0x1  }
0x8a: {  	s1 =	srdreg.scid  }
0x8b: {  	s0 =	sand.u32 $0x1, s1  }
0x8c: {  	s17 =	sshll.u32 s0, $0xA;
	s2 =	sadd.s32 s3, s2  }
0x8d: {  	s2 =	sadd.s32 s2, s17  }
0x8e: {  	[smem:$0x3FC5] =	sst s2  }
0x8f: {  	_ = 	snop  }
0x90: {  	s2 =	sld [smem:$0x3FC8]  }
0x91: {  	s18 =	sld [smem:$0x3FC7]  }
0x92: {  	s4 =	sld [smem:$0x3FD0];
	(tm) =	ssettm $0x1  }
0x93: {  	s5 =	sld [smem:$0x3FFB];
	_ =	sdelay $0x3  }
0x94: {  	_ =	strace s5  }
0x95: {  	s5 =	sld [smem:$0x3FFC];
	_ =	sdelay $0x3  }
0x96: {  	_ =	strace s5  }
0x97: {  	s5 =	sld [smem:$0x3FFD];
	_ =	sdelay $0x3  }
0x98: {  	_ =	strace s5  }
0x99: {  	_ =	strace $0x8FFFFFFF  }
0x9a: {  	s19 =	sld [smem:$0x3FDB];
	_ =	sdelay $0x1  }
0x9b: {  	s6 =	simm.s32 $_scs_section_size  }
0x9c: {  	s7 =	simm.s32 $_size__tile_overlayer_lowered;
	s8 =	simm.s32 $_tile_overlayer_lowered  }
0x9d: {  	s22 =	simm.s32 $0x1BFF;
	s21 =	sshll.u32 s8, $0x1;
	s5 =	sadd.s32 s6, s19  }
0x9e: {  	s9 =	simm.s32 $0x0;
	s20 =	sshll.u32 s7, $0x1;
	s7 =	sadd.s32 s21, s5  }
0x9f: {  	[timem:s9], [sflag:s22] =	dma.local [hbm:s7], s20  }
0xa0: {  	_ =	swait.ge [sflag:s22], s20  }
0xa1: {  	s6 =	ssub.s32 $0x0, s20;
	[sflag:s22] =	ssyncset.done $0x0  }
0xa2: {  	[sflag:s22] =	ssyncadd.s32 s6;
	_ =	sdelay $0x1  }
0xa3: {  	s23 =	simm.s32 $0x1B8B  }
0xa4: {  	_ =	swait.ge [sflag:s23], $0x1  }
0xa5: {  	[sflag:s23] =	ssyncset.done $0x0  }
0xa6: {  	s25 =	simm.s32 $0x1B8E;
	s24 =	sld [smem:$0x3FFE];
	[sflag:s23] =	ssyncadd.s32 $0xFFFFFFFF  }
0xa7: {  	s26 =	simm.s32 $execute0_lowered;
	[smem:$0x3FD2] =	sst s25  }
0xa8: {  	s7 =	sshll.u32 s26, $0x1;
	_ =	strace $0x80000046;
	[dreg:$0x1] =	wrdreg $0xFFFFFFFF  }
0xa9: {  	s28 =	simm.s32 $_size_execute0_lowered;
	s5 =	sadd.s32 s5, s7;
	[dreg:$0x0] =	wrdreg $0x0  }
0xaa: {  	s7 =	sshll.u32 s28, $0x1;
	[dreg:$0x2] =	wrdreg s5  }
0xab: {  	[dreg:$0x3] =	wrdreg s7  }
0xac: {  	[dreg:$0x4] =	wrdreg $0xC0  }
0xad: {  	_ =	task [dreg:s9], $0x5FFFF  }
0xae: {  	[dreg:$0x1] =	wrdreg $0xFFFFFFFF  }
0xaf: {  	[dreg:$0x0] =	wrdreg $0x60  }
0xb0: {  	[dreg:$0x2] =	wrdreg s24  }
0xb1: {  	[dreg:$0x3] =	wrdreg s2  }
0xb2: {  	[dreg:$0x4] =	wrdreg s18  }
0xb3: {  	[dreg:$0x5] =	wrdreg s4  }
0xb4: {  	[dreg:$0x6] =	wrdreg $0x9  }
0xb5: {  	_ =	task.clear_ibuf [dreg:s9], $0x7FFFF;
	_ =	strace $0x90000046  }
0xb6: {  	s29 =	simm.s32 $0x9;
	_ =	strace $0x80000048  }
0xb7: {  	_ =	swait.ge [sflag:s29], $0x1  }
0xb8: {  	[sflag:s29] =	ssyncadd.s32 $0xFFFFFFFF  }
0xb9: {  	_ =	strace $0x90000048  }
0xba: {  	_ =	sfence  }
0xbb: {  	s30 =	sld [smem:$0x0];
	_ =	sdelay $0x2  }
0xbc: {  	s31 =	sshll.u32 s1, $0xD;
	s1 =	sshrl.u32 s1, $0x2  }
0xbd: {  	s3 =	sand.u32 $0x4000, s31;
	s1 =	sadd.s32 s1, s30  }
0xbe: {  	s0 =	sor.u32 s3, s0;
	s1 =	sshll.u32 s1, $0x11  }
0xbf: {  	s0 =	sor.u32 s1, s0  }
0xc0: {  	s0 =	sadd.s32 $0x8F2B, s0  }
0xc1: {  	[sflag:s0] =	ssyncadd.remote.s32 $0x1  }
0xc2: {  	_ =	sfence.sel $0xFFFF  }
0xc3: {  	[dreg:$0x0] =	wrdreg $0xFFFFFFFF;
	(pc) =	sbr.abs _section_cstart, $3  }
0xc4: {  	[dreg:$0x1] =	wrdreg $0xFFFFFFFF  }
0xc5: {  	_ =	task.clear_ibuf [dreg:s9], $0x2FFFF;
	_ =	strace $0x9FFFFFFF  }
0xc6: {  	(tm) =	ssettm $0x7FFFFFFF  }
0xc7: {  	_ =	shalt  }
tec
execute0_lowered:
.L_overlay_start_1:
0x0: {  	(tag) =	ssettag $0x1  }
0x1: {  	s0 =	rddreg [dreg:$0x0]  }
0x2: {  	s1 =	rddreg [dreg:$0x1]  }
0x3: {  	s6 =	rddreg [dreg:$0x2]  }
0x4: {  	s3 =	srdreg.scid;
	s4 =	stileid.u32  }
0x5: {  	s2 =	rddreg [dreg:$0x3];
	s30 =	simm.s32 $0x1;
	s31 =	simm.s32 $0x6  }
0x6: {  	s12 =	simm.s32 $0x3;
	s13 =	simm.s32 $0x8;
	s14 =	simm.s32 $0x4  }
0x7: {  	s15 =	simm.s32 $0x9;
	s5 =	sand.u32 $0x1, s3;
	s4 =	sshll.u32 s4, $0x1  }
0x8: {  	s16 =	simm.s32 $0x5;
	s4 =	sor.u32 s5, s4;
	s7 =	ssub.s32 $0x2, s5  }
0x9: {  	s17 =	simm.s32 $0xA;
	s4 =	smul.u32 $0x2710, s4;
	s28 =	sshrl.u32 s7, $0x1  }
0xa: {  	s3 =	simm.s32 $0x0;
	s5 =	sadd.s32 $0x400, s0;
	s0 =	ssub.s32 s7, s28  }
0xb: {  	[smem:$0x7FF] =	sst s3;
	s8 =	sshrl.u32 s4, $0x3;
	s0 =	smax.u32 s0, $0x1  }
0xc: {  	_ =	strace $0x80000047;
	s1 =	sadd.s32 s1, s8;
	[dreg:$0x7] =	wrdreg s0  }
0xd: {  	s19 =	simm.s32 $0x0;
	s29 =	sadd.s32 s6, s8;
	[dreg:$0x5] =	wrdreg s1  }
0xe: {  	v0 =	vlaneseq.u32;
	s0 =	simm.s32 $0x7;
	[dreg:$0x6] =	wrdreg s29;
	s1 =	simm.s32 $0x2  }
.LBB2_1:
0xf: {  	s6 =	rddreg [dreg:$0x5];
	s7 =	simm.s32 $0xC  }
0x10: {  	[tilespmem:s3], [sflag:$0xC] =	stream.linear.gather [hbm4b:s6+s3], $0x2710, $0x38;
	[tilespmem:$0x11940] =	vst v63  }
0x11: {  	_ =	swait.ge [sflag:s7], $0x2710  }
0x12: {  	[sflag:s7] =	ssyncset.done $0x0  }
0x13: {  	s8 =	simm.s32 $0x2710;
	s25 =	rddreg [dreg:$0x6];
	[sflag:s7] =	ssyncadd.s32 $0xFFFFD8F0  }
0x14: {  	[tilespmem:s8], [sflag:$0xC] =	stream.linear.gather [hbm4b:s25+s3], $0x2710, $0x38;
	[tilespmem:$0x11940] =	vst v63  }
0x15: {  	_ =	swait.ge [sflag:s7], $0x2710  }
0x16: {  	[sflag:s7] =	ssyncset.done $0x0  }
0x17: {  	s26 =	simm.s32 $0x4E20;
	s6 =	simm.s32 $0x50;
	[sflag:s7] =	ssyncadd.s32 $0xFFFFD8F0  }
0x18: {  	[tilespmem:s26], [sflag:$0x1] =	stream.indirect.gather [hbm4b:s5+s6], $0x40, s3, s6, $0xb8;
	[tilespmem:$0x11940] =	vst v63  }
0x19: {  	s28 =	simm.s32 $0xB220  }
0x1a: {  	[tilespmem:s28], [sflag:$0x6] =	stream.indirect.gather [hbm4b:s5+s6], $0x40, s8, s6, $0xb8;
	[tilespmem:$0x11940] =	vst v63  }
0x1b: {  	s29 =	simm.s32 $0x6220  }
0x1c: {  	[tilespmem:s29], [sflag:$0x2] =	stream.indirect.gather [hbm4b:s5+s6], $0x40, s6, s6, $0xb8;
	[tilespmem:$0x11940] =	vst v63  }
0x1d: {  	s9 =	simm.s32 $0xC620;
	s8 =	simm.s32 $0x2760  }
0x1e: {  	[tilespmem:s9], [sflag:$0x7] =	stream.indirect.gather [hbm4b:s5+s6], $0x40, s8, s6, $0xb8;
	[tilespmem:$0x11940] =	vst v63  }
0x1f: {  	s10 =	simm.s32 $0xA0;
	s11 =	simm.s32 $0x7620  }
0x20: {  	[tilespmem:s11], [sflag:$0x3] =	stream.indirect.gather [hbm4b:s5+s6], $0x40, s10, s6, $0xb8;
	[tilespmem:$0x11940] =	vst v63  }
0x21: {  	s18 =	simm.s32 $0x27B0;
	s20 =	simm.s32 $0xDA20  }
0x22: {  	[tilespmem:s20], [sflag:$0x8] =	stream.indirect.gather [hbm4b:s5+s6], $0x40, s18, s6, $0xb8;
	[tilespmem:$0x11940] =	vst v63  }
0x23: {  	s21 =	simm.s32 $0xF0;
	s22 =	simm.s32 $0x8A20  }
0x24: {  	[tilespmem:s22], [sflag:$0x4] =	stream.indirect.gather [hbm4b:s5+s6], $0x40, s21, s6, $0xb8;
	[tilespmem:$0x11940] =	vst v63  }
0x25: {  	s23 =	simm.s32 $0x2800;
	s24 =	simm.s32 $0xEE20  }
0x26: {  	[tilespmem:s24], [sflag:$0x9] =	stream.indirect.gather [hbm4b:s5+s6], $0x40, s23, s6, $0xb8;
	[tilespmem:$0x11940] =	vst v63  }
0x27: {  	s25 =	simm.s32 $0x140;
	s26 =	simm.s32 $0x9E20  }
0x28: {  	[tilespmem:s26], [sflag:$0x5] =	stream.indirect.gather [hbm4b:s5+s6], $0x40, s25, s6, $0xb8;
	[tilespmem:$0x11940] =	vst v63  }
0x29: {  	s28 =	simm.s32 $0x2850;
	s29 =	simm.s32 $0x10220;
	s20 =	simm.s32 $0x0  }
0x2a: {  	[tilespmem:s29], [sflag:$0xA] =	stream.indirect.gather [hbm4b:s5+s6], $0x40, s28, s6, $0xb8;
	[tilespmem:$0x11940] =	vst v63  }
.LBB2_2:
0x2b: {  	p0 =	slt.u32 s20, $0x2  }
0x2c: {  	s6 =	simm.s32 @!p0 $0xB  }
0x2d: {  	_ =	swait.ge @!p0 [sflag:s6], $0x190  }
0x2e: {  	[sflag:s6] =	ssyncset.done @!p0 $0x0  }
0x2f: {  	[sflag:s6] =	ssyncadd.s32 @!p0 $0xFFFFFE70  }
0x30: {  	_ =	swait.ge [sflag:s30], $0x1400  }
0x31: {  	s29 =	sand.u32 $0x1, s20;
	s24 =	simm.s32 $0x190;
	[sflag:s30] =	ssyncset.done $0x0  }
0x32: {  	s21 =	smul.u32 $0x190, s20;
	p0 =	seq.s32 s29, $0x1;
	[sflag:s30] =	ssyncadd.s32 $0xFFFFEC00  }
0x33: {  	s25 =	simm.s32 $0x0;
	s24 =	simm.s32 @!p0 $0x0;
	_ =	swait.ge [sflag:s31], $0x1400  }
0x34: {  	s26 =	simm.s32 $0xB2A0;
	s23 =	sadd.s32 $0x11620, s24;
	[sflag:s31] =	ssyncset.done $0x0  }
0x35: {  	s28 =	simm.s32 $0x4EA0;
	s22 =	sadd.s32 s4, s21;
	v1 =	vmov s23;
	[sflag:s31] =	ssyncadd.s32 $0xFFFFEC00  }
.LBB2_3:
0x36: {  	v7 =	vld [tilespmem:s28+$0xFFFFFF80]  }
0x37: {  	v10 =	vld [tilespmem:s26+$0x0]  }
0x38: {  	v11 =	vld [tilespmem:s26+$0xFFFFFFF0]  }
0x39: {  	v2 =	vld [tilespmem:s26+$0xFFFFFFE0]  }
0x3a: {  	v3 =	vld [tilespmem:s28+$0xFFFFFFE0]  }
0x3b: {  	v12 =	vld [tilespmem:s26+$0xFFFFFFD0]  }
0x3c: {  	v13 =	vld [tilespmem:s28+$0xFFFFFFD0]  }
0x3d: {  	v14 =	vld [tilespmem:s26+$0xFFFFFFC0]  }
0x3e: {  	v15 =	vld [tilespmem:s28+$0xFFFFFFC0]  }
0x3f: {  	v16 =	vld [tilespmem:s26+$0xFFFFFF90]  }
0x40: {  	v17 =	vld [tilespmem:s28+$0xFFFFFF90]  }
0x41: {  	v18 =	vld [tilespmem:s26+$0xFFFFFF80]  }
0x42: {  	v19 =	vld [tilespmem:s28+$0xFFFFFFA0]  }
0x43: {  	v20 =	vld [tilespmem:s26+$0xFFFFFFA0]  }
0x44: {  	v21 =	vld [tilespmem:s28+$0xFFFFFFF0]  }
0x45: {  	v22 =	vld [tilespmem:s28+$0x0]  }
0x46: {  	v9 =	vld [tilespmem:s26+$0x10];
	s6 =	simm.s32 $0x1;
	v6 =	vimm.f32 $0.0e+00  }
0x47: {  	s7 =	simm.s32 $0x2;
	v25 =	vld [tilespmem:s26+$0xFFFFFFB0];
	v5 =	vmov s6;
	v2 =	vmul.bf16 v2, v3;
	v14 =	vmul.bf16 v14, v15  }
0x48: {  	s9 =	simm.s32 $0x3;
	v56 =	vld [tilespmem:s26+$0x70];
	v4 =	vmov s7;
	v15 =	vmul.bf16 v16, v17;
	v12 =	vmul.bf16 v12, v13  }
0x49: {  	v27 =	vld [tilespmem:s28+$0x70];
	v3 =	vmov s9;
	v7 =	vmul.bf16 v18, v7;
	v11 =	vmul.bf16 v11, v21  }
0x4a: {  	s10 =	simm.s32 $0x5;
	v59 =	vld [tilespmem:s26+$0x30];
	v10 =	vmul.bf16 v10, v22;
	v19 =	vmul.bf16 v20, v19;
	v23 =	vunpack.i.u.bf16.f32 v2  }
0x4b: {  	s8 =	sadd.s32 $0x100, s28;
	v60 =	vld [tilespmem:s26+$0x40];
	v24 =	vunpack.i.l.bf16.f32 v2;
	v2 =	vmov s10;
	v18 =	vunpack.i.u.bf16.f32 v14  }
0x4c: {  	v8 =	vld [tilespmem:s8+$0xFFFFFF80];
	v14 =	vunpack.i.l.bf16.f32 v14;
	v26 =	vunpack.i.u.bf16.f32 v7;
	v7 =	vunpack.i.l.bf16.f32 v7  }
0x4d: {  	v16 =	vld [tilespmem:s28+$0xFFFFFFB0];
	v13 =	vadd.f32 v24, v23;
	v23 =	vunpack.i.u.bf16.f32 v15;
	v15 =	vunpack.i.l.bf16.f32 v15  }
0x4e: {  	v17 =	vld [tilespmem:s28+$0x10];
	v57 =	vunpack.i.l.bf16.f32 v10;
	v7 =	vadd.f32 v7, v26;
	v15 =	vadd.f32 v15, v23  }
0x4f: {  	v22 =	vld [tilespmem:s26+$0x50];
	v58 =	vunpack.i.u.bf16.f32 v19;
	v19 =	vunpack.i.l.bf16.f32 v19;
	v10 =	vunpack.i.u.bf16.f32 v10  }
0x50: {  	v20 =	vld [tilespmem:s28+$0x20];
	v14 =	vadd.f32 v14, v18;
	v18 =	vunpack.i.l.bf16.f32 v12;
	v15 =	vadd.f32 v15, v7  }
0x51: {  	v23 =	vld [tilespmem:s26+$0x20];
	v7 =	vunpack.i.u.bf16.f32 v12;
	v12 =	vunpack.i.u.bf16.f32 v11;
	v11 =	vunpack.i.l.bf16.f32 v11  }
0x52: {  	v24 =	vmul.bf16 v56, v27;
	v16 =	vmul.bf16 v25, v16;
	v12 =	vadd.f32 v11, v12;
	v11 =	vld [tilespmem:s28+$0x50]  }
0x53: {  	v19 =	vadd.f32 v19, v58;
	v9 =	vmul.bf16 v9, v17;
	v17 =	vadd.f32 v18, v7;
	v18 =	vld [tilespmem:s28+$0x30]  }
0x54: {  	v21 =	vld [tilespmem:s26+$0x60];
	v10 =	vadd.f32 v57, v10;
	v7 =	vunpack.i.u.bf16.f32 v16;
	v16 =	vunpack.i.l.bf16.f32 v16  }
0x55: {  	s11 =	simm.s32 $0x6;
	v61 =	vunpack.i.u.bf16.f32 v9;
	v9 =	vunpack.i.l.bf16.f32 v9;
	v14 =	vadd.f32 v17, v14;
	v17 =	vld [tilespmem:s28+$0x40]  }
0x56: {  	s6 =	sadd.s32 $0x100, s26;
	v16 =	vadd.f32 v16, v7;
	v7 =	vmov s11;
	v15 =	vadd.f32 v19, v15;
	v19 =	vld [tilespmem:s28+$0x60]  }
0x57: {  	v62 =	vld [tilespmem:s6+$0xFFFFFFE0];
	v20 =	vmul.bf16 v23, v20;
	v13 =	vadd.f32 v13, v14;
	v14 =	vadd.f32 v9, v61  }
0x58: {  	v23 =	vadd.f32 v16, v15;
	v9 =	vld [tilespmem:s6+$0x10];
	v22 =	vmul.bf16 v22, v11;
	v15 =	vmul.bf16 v59, v18  }
0x59: {  	v11 =	vld [tilespmem:s6+$0x0];
	v18 =	vadd.f32 v12, v13;
	v25 =	vadd.f32 v14, v10;
	v10 =	vunpack.i.u.bf16.f32 v20  }
0x5a: {  	v12 =	vld [tilespmem:s6+$0xFFFFFFF0];
	v13 =	vunpack.i.u.bf16.f32 v15;
	v14 =	vunpack.i.l.bf16.f32 v15;
	v15 =	vmul.bf16 v60, v17  }
0x5b: {  	v19 =	vmul.bf16 v21, v19;
	v16 =	vunpack.i.u.bf16.f32 v22;
	v17 =	vunpack.i.l.bf16.f32 v22;
	v22 =	vld [tilespmem:s8+$0xFFFFFFE0];
	(xrf2) =	vadd.scan.msk.f32 $0xffff, v18  }
0x5c: {  	v14 =	vadd.f32 v14, v13;
	v13 =	vld [tilespmem:s6+$0xFFFFFFD0];
	v21 =	vunpack.i.u.bf16.f32 v15;
	v26 =	vunpack.i.l.bf16.f32 v15  }
0x5d: {  	v20 =	vunpack.i.l.bf16.f32 v20;
	v17 =	vadd.f32 v17, v16;
	v16 =	vld [tilespmem:s6+$0xFFFFFFC0];
	v21 =	vadd.f32 v26, v21  }
0x5e: {  	s18 =	simm.s32 $0x7;
	v20 =	vadd.f32 v20, v10;
	v63 =	vunpack.i.u.bf16.f32 v19;
	v19 =	vunpack.i.l.bf16.f32 v19;
	v18 =	vld [tilespmem:s6+$0xFFFFFF90];
	(xrf2) =	vadd.scan.msk.f32 $0xffff, v23  }
0x5f: {  	v10 =	vmov s18;
	v15 =	vld [tilespmem:s8+$0xFFFFFFD0];
	v26 =	vadd.f32 v19, v63;
	v28 =	vadd.f32 v17, v21  }
0x60: {  	s29 =	simm.s32 $0x4;
	v19 =	vadd.f32 v20, v25;
	v17 =	vld [tilespmem:s8+$0xFFFFFFC0];
	v21 =	vunpack.i.l.bf16.f32 v24;
	v24 =	vunpack.i.u.bf16.f32 v24  }
0x61: {  	s7 =	simm.s32 $0x0;
	s9 =	simm.s32 $0x8;
	s10 =	smov.u32 s8;
	v20 =	vld [tilespmem:s8+$0xFFFFFF90];
	v22 =	vmul.bf16 v62, v22;
	v21 =	vadd.f32 v21, v24;
	v23 =	vadd.f32 v26, v28  }
.LBB2_4:
0x62: {  	p0 =	slt.u32 s9, $0xC  }
0x63: {  	v24 =	vld [tilespmem:s6+$0xFFFFFF80];
	s8 =	sadd.s32 $0x100, s8;
	vm1 =	veq.s32 v4, v0;
	vm0 =	veq.s32 v3, v0;
	v4 =	vmovc v7;
	v3 =	vmov v10;
	s18 =	smov.u32 s9;
	s9 =	sadd.s32 $0x4, s9  }
0x64: {  	v7 =	vld [tilespmem:s8+$0xFFFFFF80];
	s11 =	sadd.s32 $0x1, s18;
	v10 =	vunpack.i.u.bf16.f32 v22;
	v22 =	vunpack.i.l.bf16.f32 v22;
	v21 =	vadd.f32 v21, v23  }
0x65: {  	v14 =	vadd.f32 v14, v19;
	v23 =	vmov s11;
	v25 =	vld [tilespmem:s10+$0xFFFFFFA0];
	v16 =	vmul.bf16 v16, v17;
	v17, _, _ =	vpop (xrf2)  }
0x66: {  	v13 =	vmul.bf16 v13, v15;
	vm2 =	veq.s32 v5, v0;
	v10 =	vadd.f32 v22, v10;
	v19 =	vld [tilespmem:s6+$0xFFFFFFA0];
	(xrf2) =	vadd.scan.msk.f32 $0xffff, v21  }
0x67: {  	v5 =	vmovc v2;
	v21 =	vmov s7;
	v2 =	vmovc v23;
	s7 =	smov.u32 s29;
	s29 =	smov.u32 s18;
	v15 =	vmul.bf16 v18, v20;
	v18 =	vunpack.i.u.bf16.f32 v16;
	v20 =	vld [tilespmem:s10+$0xFFFFFFF0]  }
0x68: {  	v17 =	vbroadcast v17, $0xF;
	v16 =	vunpack.i.l.bf16.f32 v16;
	v22 =	vmul.bf16 v24, v8;
	v23 =	vld [tilespmem:s10+$0x0];
	v8, _, _ =	vpop (xrf2)  }
0x69: {  	v24 =	vunpack.i.u.bf16.f32 v15;
	v15 =	vunpack.i.l.bf16.f32 v15;
	v26 =	vld [tilespmem:s6+$0xFFFFFFB0];
	v27 =	vbroadcast v8, $0xF;
	(xrf2) =	vadd.scan.msk.f32 $0xffff, v14;
	v8 =	vmovc v7  }
0x6a: {  	vm3 =	veq.s32 v21, v0;
	v7 =	vunpack.i.u.bf16.f32 v22;
	v14 =	vadd.f32 v15, v24;
	v15 =	vld [tilespmem:s10+$0xFFFFFFB0]  }
0x6b: {  	v16 =	vadd.f32 v16, v18;
	v21 =	vunpack.i.l.bf16.f32 v22;
	v18 =	vld [tilespmem:s10+$0x10];
	v6 =	vsel vm3, v27, v6  }
0x6c: {  	s11 =	sadd.s32 $0x2, s29;
	v21 =	vadd.f32 v21, v7;
	v12 =	vmul.bf16 v12, v20;
	v20 =	vld [tilespmem:s6+$0x70];
	v6 =	vsel vm2, v17, v6  }
0x6d: {  	v7 =	vmov s11;
	v17 =	vunpack.i.l.bf16.f32 v13;
	v11 =	vmul.bf16 v11, v23;
	v22 =	vld [tilespmem:s10+$0x70]  }
0x6e: {  	v13 =	vunpack.i.u.bf16.f32 v13;
	v14 =	vadd.f32 v14, v21;
	v27 =	vunpack.i.u.bf16.f32 v12;
	v23 =	vld [tilespmem:s6+$0x60]  }
0x6f: {  	v19 =	vmul.bf16 v19, v25;
	v12 =	vunpack.i.l.bf16.f32 v12;
	v24 =	vunpack.i.l.bf16.f32 v11;
	v25 =	vld [tilespmem:s6+$0x50]  }
0x70: {  	v15 =	vmul.bf16 v26, v15;
	v12 =	vadd.f32 v12, v27;
	v9 =	vmul.bf16 v9, v18;
	v18 =	vld [tilespmem:s6+$0x20];
	v21, _, _ =	vpop (xrf2)  }
0x71: {  	v13 =	vadd.f32 v17, v13;
	v11 =	vunpack.i.u.bf16.f32 v11;
	v17 =	vld [tilespmem:s10+$0x20];
	v21 =	vbroadcast v21, $0xF  }
0x72: {  	v26 =	vunpack.i.u.bf16.f32 v15;
	v15 =	vunpack.i.l.bf16.f32 v15;
	v27 =	vld [tilespmem:s10+$0x50];
	v20 =	vmul.bf16 v20, v22  }
0x73: {  	v22 =	vunpack.i.u.bf16.f32 v19;
	v19 =	vunpack.i.l.bf16.f32 v19;
	v15 =	vadd.f32 v15, v26;
	v26 =	vld [tilespmem:s10+$0x30];
	v28, _, _ =	vpop (xrf2)  }
0x74: {  	v13 =	vadd.f32 v13, v16;
	v19 =	vadd.f32 v19, v22;
	v16 =	vld [tilespmem:s6+$0x30];
	v22 =	vbroadcast v28, $0xF  }
0x75: {  	v24 =	vadd.f32 v24, v11;
	v11 =	vunpack.i.u.bf16.f32 v9;
	v9 =	vunpack.i.l.bf16.f32 v9;
	v28 =	vld [tilespmem:s6+$0x40]  }
0x76: {  	v10 =	vadd.f32 v10, v13;
	v14 =	vadd.f32 v19, v14;
	v13 =	vld [tilespmem:s10+$0x40];
	v6 =	vsel vm1, v22, v6  }
0x77: {  	v19 =	vadd.f32 v9, v11;
	s6 =	sadd.s32 $0x100, s6;
	v22 =	vmul.bf16 v25, v27;
	v25 =	vld [tilespmem:s10+$0x60];
	v6 =	vsel vm0, v21, v6;
	s10 =	smov.u32 s8  }
0x78: {  	s11 =	sadd.s32 $0x3, s29;
	v21 =	vadd.f32 v15, v14;
	v14 =	vadd.f32 v12, v10;
	v15 =	vmul.bf16 v18, v17;
	v9 =	vld [tilespmem:s6+$0x10]  }
0x79: {  	v10 =	vmov s11;
	v19 =	vadd.f32 v19, v24;
	v11 =	vld [tilespmem:s6+$0x0];
	v16 =	vmul.bf16 v16, v26  }
0x7a: {  	v17 =	vunpack.i.u.bf16.f32 v15;
	v18 =	vunpack.i.u.bf16.f32 v22;
	v22 =	vunpack.i.l.bf16.f32 v22;
	v12 =	vld [tilespmem:s6+$0xFFFFFFF0]  }
0x7b: {  	v24 =	vld [tilespmem:s6+$0xFFFFFFE0];
	v26 =	vunpack.i.u.bf16.f32 v16;
	v16 =	vunpack.i.l.bf16.f32 v16;
	v27 =	vmul.bf16 v28, v13;
	(xrf2) =	vadd.scan.msk.f32 $0xffff, v14  }
0x7c: {  	v29 =	vunpack.i.l.bf16.f32 v15;
	v28 =	vld [tilespmem:s8+$0xFFFFFFE0];
	v14 =	vadd.f32 v16, v26;
	v23 =	vmul.bf16 v23, v25  }
0x7d: {  	v18 =	vadd.f32 v22, v18;
	v13 =	vld [tilespmem:s6+$0xFFFFFFD0];
	v16 =	vunpack.i.u.bf16.f32 v27;
	v25 =	vunpack.i.l.bf16.f32 v27  }
.Ltmp0:
0x7e: {  	v22 =	vadd.f32 v29, v17;
	v15 =	vld [tilespmem:s8+$0xFFFFFFD0];
	v25 =	vadd.f32 v25, v16;
	v26 =	vunpack.i.u.bf16.f32 v23;
	(xrf2) =	vadd.scan.msk.f32 $0xffff, v21;
	(pc) =	sbr.rel @p0 .LBB2_4-.Ltmp0, $4  }
0x7f: {  	v21 =	vunpack.i.l.bf16.f32 v23;
	v23 =	vunpack.i.l.bf16.f32 v20;
	v16 =	vld [tilespmem:s6+$0xFFFFFFC0]  }
0x80: {  	v20 =	vunpack.i.u.bf16.f32 v20;
	v26 =	vadd.f32 v21, v26;
	v17 =	vld [tilespmem:s8+$0xFFFFFFC0];
	v25 =	vadd.f32 v18, v25  }
0x81: {  	v19 =	vadd.f32 v22, v19;
	v21 =	vadd.f32 v23, v20;
	v18 =	vld [tilespmem:s6+$0xFFFFFF90]  }
0x82: {  	v22 =	vmul.bf16 v24, v28;
	v20 =	vld [tilespmem:s8+$0xFFFFFF90];
	v23 =	vadd.f32 v26, v25  }
0x83: {  	v24 =	vld [tilespmem:s6+$0xFFFFFF80]  }
0x84: {  	v25 =	vld [tilespmem:s10+$0xFFFFFFA0]  }
0x85: {  	v26 =	vld [tilespmem:s6+$0xFFFFFFA0]  }
0x86: {  	v27 =	vld [tilespmem:s10+$0xFFFFFFF0]  }
0x87: {  	v28 =	vld [tilespmem:s10+$0x0]  }
0x88: {  	v30 =	vld [tilespmem:s6+$0xFFFFFFB0]  }
0x89: {  	v42 =	vld [tilespmem:s10+$0xFFFFFFB0]  }
0x8a: {  	v43 =	vld [tilespmem:s10+$0x10]  }
0x8b: {  	v49 =	vld [tilespmem:s6+$0x60]  }
0x8c: {  	v50 =	vld [tilespmem:s6+$0x50]  }
0x8d: {  	v52 =	vld [tilespmem:s6+$0x20]  }
0x8e: {  	v54 =	vld [tilespmem:s10+$0x20]  }
0x8f: {  	v55 =	vld [tilespmem:s10+$0x50]  }
0x90: {  	v14 =	vadd.f32 v14, v19;
	v13 =	vmul.bf16 v13, v15;
	v57 =	vld [tilespmem:s10+$0x30]  }
0x91: {  	v60 =	vld [tilespmem:s6+$0x40];
	v29 =	vunpack.i.u.bf16.f32 v22;
	v41 =	vunpack.i.l.bf16.f32 v22;
	v21 =	vadd.f32 v21, v23  }
0x92: {  	v62 =	vld [tilespmem:s10+$0x40];
	v16 =	vmul.bf16 v16, v17;
	v22 =	vadd.f32 v41, v29;
	v51 =	vunpack.i.l.bf16.f32 v13  }
0x93: {  	v63 =	vld [tilespmem:s6+$0x30];
	v13 =	vunpack.i.u.bf16.f32 v13;
	v18 =	vmul.bf16 v18, v20;
	v8 =	vmul.bf16 v24, v8  }
0x94: {  	v32 =	vld [tilespmem:s10+$0x60];
	v13 =	vadd.f32 v51, v13;
	v12 =	vmul.bf16 v12, v27;
	v11 =	vmul.bf16 v11, v28  }
0x95: {  	v48 =	vunpack.i.u.bf16.f32 v16;
	v25 =	vmul.bf16 v26, v25;
	v20 =	vmul.bf16 v30, v42  }
0x96: {  	v16 =	vunpack.i.l.bf16.f32 v16;
	v9 =	vmul.bf16 v9, v43;
	v33 =	vmul.bf16 v50, v55  }
0x97: {  	v16 =	vadd.f32 v16, v48;
	v34 =	vmul.bf16 v52, v54;
	v35 =	vmul.bf16 v60, v62  }
0x98: {  	v45 =	vld [tilespmem:s6+$0x70];
	v36 =	vmul.bf16 v63, v57;
	v44 =	vunpack.i.u.bf16.f32 v18;
	v18 =	vunpack.i.l.bf16.f32 v18  }
0x99: {  	v47 =	vld [tilespmem:s10+$0x70];
	v38 =	vmul.bf16 v49, v32;
	v46 =	vunpack.i.u.bf16.f32 v8;
	v15 =	vadd.f32 v18, v44  }
0x9a: {  	v8 =	vunpack.i.l.bf16.f32 v8;
	v53 =	vunpack.i.u.bf16.f32 v12;
	v12 =	vunpack.i.l.bf16.f32 v12  }
0x9b: {  	v56 =	vunpack.i.u.bf16.f32 v25;
	v25 =	vunpack.i.l.bf16.f32 v25;
	v58 =	vunpack.i.l.bf16.f32 v11  }
0x9c: {  	v61 =	vunpack.i.u.bf16.f32 v20;
	v20 =	vunpack.i.l.bf16.f32 v20;
	v13 =	vadd.f32 v13, v16  }
0x9d: {  	v11 =	vunpack.i.u.bf16.f32 v11;
	v31 =	vunpack.i.u.bf16.f32 v9;
	v9 =	vunpack.i.l.bf16.f32 v9  }
0x9e: {  	v18 =	vmul.bf16 v45, v47;
	v37 =	vunpack.i.u.bf16.f32 v33;
	v17 =	vunpack.i.l.bf16.f32 v33  }
0x9f: {  	v39 =	vunpack.i.u.bf16.f32 v35;
	v8 =	vadd.f32 v8, v46;
	v12 =	vadd.f32 v12, v53  }
0xa0: {  	v42 =	vunpack.i.u.bf16.f32 v38;
	v59 =	vadd.f32 v25, v56;
	v20 =	vadd.f32 v20, v61  }
0xa1: {  	v19 =	vunpack.i.l.bf16.f32 v38;
	v11 =	vadd.f32 v58, v11;
	v9 =	vadd.f32 v9, v31  }
0xa2: {  	v40 =	vunpack.i.u.bf16.f32 v34;
	v16 =	vadd.f32 v17, v37;
	v43 =	vadd.f32 v19, v42  }
0xa3: {  	v13 =	vadd.f32 v22, v13;
	v9 =	vadd.f32 v9, v11;
	v11 =	vunpack.i.l.bf16.f32 v35  }
0xa4: {  	v44 =	vunpack.i.l.bf16.f32 v18;
	v18 =	vunpack.i.u.bf16.f32 v18;
	v11 =	vadd.f32 v11, v39  }
0xa5: {  	v41 =	vunpack.i.u.bf16.f32 v36;
	v8 =	vadd.f32 v15, v8;
	v18 =	vadd.f32 v44, v18  }
0xa6: {  	v12 =	vadd.f32 v12, v13;
	v13 =	vunpack.i.l.bf16.f32 v34;
	v11 =	vadd.f32 v16, v11  }
0xa7: {  	v15 =	vunpack.i.l.bf16.f32 v36;
	v8 =	vadd.f32 v59, v8;
	v13 =	vadd.f32 v13, v40  }
0xa8: {  	(xrf2) =	vadd.scan.msk.f32 $0xffff, v21;
	v45 =	vadd.f32 v15, v41;
	v11 =	vadd.f32 v43, v11  }
0xa9: {  	(xrf2) =	vadd.scan.msk.f32 $0xffff, v14;
	v8 =	vadd.f32 v20, v8;
	v9 =	vadd.f32 v13, v9  }
0xaa: {  	(xrf2) =	vadd.scan.msk.f32 $0xffff, v12;
	v11 =	vadd.f32 v18, v11  }
0xab: {  	(xrf2) =	vadd.scan.msk.f32 $0xffff, v8;
	v46 =	vadd.f32 v45, v9  }
0xac: {  	(xrf2) =	vadd.scan.msk.f32 $0xffff, v11  }
0xad: {  	(xrf2) =	vadd.scan.msk.f32 $0xffff, v46;
	_ =	sdelay $0x2  }
0xae: {  	v47, _, _ =	vpop (xrf2)  }
0xaf: {  	v48, _, _ =	vpop (xrf2)  }
0xb0: {  	v50 =	vmov s7;
	v49, _, _ =	vpop (xrf2);
	v9 =	vbroadcast v48, $0xF  }
0xb1: {  	vm0 =	veq.s32 v4, v0;
	vm1 =	veq.s32 v50, v0;
	v52 =	vbroadcast v47, $0xF;
	v51, _, _ =	vpop (xrf2)  }
0xb2: {  	vm2 =	veq.s32 v5, v0;
	v55 =	vbroadcast v51, $0xF;
	v54 =	vsel vm1, v9, v6;
	v53, _, _ =	vpop (xrf2)  }
0xb3: {  	vm11 =	veq.s32 v3, v0;
	v57 =	vbroadcast v49, $0xF;
	v3 =	vsel vm2, v52, v54;
	v56, _, _ =	vpop (xrf2)  }
0xb4: {  	v58 =	vmov s29;
	s29 =	sshll.u32 s25, $0x4;
	s25 =	sadd.s32 $0x1, s25;
	v3 =	vsel vm0, v55, v3;
	v59 =	vbroadcast v56, $0xF;
	v60, _, _ =	vpop (xrf2)  }
0xb5: {  	vm12 =	veq.s32 v58, v0;
	p0 =	sne.s32 s25, $0x5;
	v3 =	vsel vm11, v57, v3;
	v61 =	vbroadcast v53, $0xF;
	v62, _, _ =	vpop (xrf2)  }
.Ltmp1:
0xb6: {  	vm13 =	veq.s32 v2, v0;
	v2 =	vsel vm12, v59, v3;
	v3 =	vbroadcast v62, $0xF;
	(pc) =	sbr.rel @p0 .LBB2_3-.Ltmp1, $4  }
0xb7: {  	vm14 =	veq.s32 v7, v0;
	v2 =	vsel vm13, v61, v2;
	v63 =	vbroadcast v60, $0xF  }
0xb8: {  	vm15 =	veq.s32 v10, v0;
	v2 =	vsel vm14, v3, v2  }
0xb9: {  	s6 =	sand.u32 $0x3FFFFFF0, s29;
	v2 =	vsel vm15, v63, v2  }
0xba: {  	s26 =	sadd.s32 $0x400, s26;
	s28 =	sadd.s32 $0x400, s28;
	[tilespmem:v1+s6+$0x0 ss:$0x1] =	vst.idx.msk $0xffff, v2  }
0xbb: {  	p0 =	seq.s32 s20, $0x18  }
0xbc: {  	s6 =	sadd.s32 @!p0 $0x190, s21;
	s7 =	simm.s32 @!p0 $0x50;
	s8 =	simm.s32 @!p0 $0x4E20  }
0xbd: {  	[tilespmem:s8], [sflag:$0x1] =	stream.indirect.gather @!p0 [hbm4b:s5+s7], $0x40, s6, s7, $0xb8;
	[tilespmem:$0x11940] =	vst v63  }
0xbe: {  	s6 =	sadd.s32 @!p0 $0x28A0, s21;
	s8 =	simm.s32 @!p0 $0xB220  }
0xbf: {  	[tilespmem:s8], [sflag:$0x6] =	stream.indirect.gather @!p0 [hbm4b:s5+s7], $0x40, s6, s7, $0xb8;
	[tilespmem:$0x11940] =	vst v63  }
0xc0: {  	_ =	swait.ge [sflag:s1], $0x1400  }
0xc1: {  	[sflag:s1] =	ssyncset.done $0x0  }
0xc2: {  	[sflag:s1] =	ssyncadd.s32 $0xFFFFEC00  }
0xc3: {  	_ =	swait.ge [sflag:s0], $0x1400  }
0xc4: {  	s29 =	sadd.s32 $0x11670, s24;
	s25 =	simm.s32 $0x0;
	[sflag:s0] =	ssyncset.done $0x0  }
0xc5: {  	s26 =	simm.s32 $0xC6A0;
	s28 =	simm.s32 $0x62A0;
	v1 =	vmov s29;
	[sflag:s0] =	ssyncadd.s32 $0xFFFFEC00  }
.LBB2_7:
0xc6: {  	v7 =	vld [tilespmem:s28+$0xFFFFFF80]  }
0xc7: {  	v10 =	vld [tilespmem:s26+$0x0]  }
0xc8: {  	v11 =	vld [tilespmem:s26+$0xFFFFFFF0]  }
0xc9: {  	v2 =	vld [tilespmem:s26+$0xFFFFFFE0]  }
0xca: {  	v3 =	vld [tilespmem:s28+$0xFFFFFFE0]  }
0xcb: {  	v12 =	vld [tilespmem:s26+$0xFFFFFFD0]  }
0xcc: {  	v13 =	vld [tilespmem:s28+$0xFFFFFFD0]  }
0xcd: {  	v14 =	vld [tilespmem:s26+$0xFFFFFFC0]  }
0xce: {  	v15 =	vld [tilespmem:s28+$0xFFFFFFC0]  }
0xcf: {  	v16 =	vld [tilespmem:s26+$0xFFFFFF90]  }
0xd0: {  	v17 =	vld [tilespmem:s28+$0xFFFFFF90]  }
0xd1: {  	v18 =	vld [tilespmem:s26+$0xFFFFFF80]  }
0xd2: {  	v19 =	vld [tilespmem:s28+$0xFFFFFFA0]  }
0xd3: {  	v20 =	vld [tilespmem:s26+$0xFFFFFFA0]  }
0xd4: {  	v21 =	vld [tilespmem:s28+$0xFFFFFFF0]  }
0xd5: {  	v22 =	vld [tilespmem:s28+$0x0]  }
0xd6: {  	v9 =	vld [tilespmem:s26+$0x10];
	s6 =	simm.s32 $0x1;
	v6 =	vimm.f32 $0.0e+00  }
0xd7: {  	s7 =	simm.s32 $0x2;
	v25 =	vld [tilespmem:s26+$0xFFFFFFB0];
	v5 =	vmov s6;
	v2 =	vmul.bf16 v2, v3;
	v14 =	vmul.bf16 v14, v15  }
0xd8: {  	s8 =	simm.s32 $0x3;
	v56 =	vld [tilespmem:s26+$0x70];
	v4 =	vmov s7;
	v15 =	vmul.bf16 v16, v17;
	v12 =	vmul.bf16 v12, v13  }
0xd9: {  	v27 =	vld [tilespmem:s28+$0x70];
	v3 =	vmov s8;
	v7 =	vmul.bf16 v18, v7;
	v11 =	vmul.bf16 v11, v21  }
0xda: {  	s9 =	simm.s32 $0x5;
	v59 =	vld [tilespmem:s26+$0x30];
	v10 =	vmul.bf16 v10, v22;
	v19 =	vmul.bf16 v20, v19;
	v23 =	vunpack.i.u.bf16.f32 v2  }
0xdb: {  	s10 =	sadd.s32 $0x100, s28;
	v60 =	vld [tilespmem:s26+$0x40];
	v24 =	vunpack.i.l.bf16.f32 v2;
	v2 =	vmov s9;
	v18 =	vunpack.i.u.bf16.f32 v14  }
0xdc: {  	v8 =	vld [tilespmem:s10+$0xFFFFFF80];
	v14 =	vunpack.i.l.bf16.f32 v14;
	v26 =	vunpack.i.u.bf16.f32 v7;
	v7 =	vunpack.i.l.bf16.f32 v7  }
0xdd: {  	v16 =	vld [tilespmem:s28+$0xFFFFFFB0];
	v13 =	vadd.f32 v24, v23;
	v23 =	vunpack.i.u.bf16.f32 v15;
	v15 =	vunpack.i.l.bf16.f32 v15  }
0xde: {  	v17 =	vld [tilespmem:s28+$0x10];
	v57 =	vunpack.i.l.bf16.f32 v10;
	v7 =	vadd.f32 v7, v26;
	v15 =	vadd.f32 v15, v23  }
0xdf: {  	v22 =	vld [tilespmem:s26+$0x50];
	v58 =	vunpack.i.u.bf16.f32 v19;
	v19 =	vunpack.i.l.bf16.f32 v19;
	v10 =	vunpack.i.u.bf16.f32 v10  }
0xe0: {  	v20 =	vld [tilespmem:s28+$0x20];
	v14 =	vadd.f32 v14, v18;
	v18 =	vunpack.i.l.bf16.f32 v12;
	v15 =	vadd.f32 v15, v7  }
0xe1: {  	v23 =	vld [tilespmem:s26+$0x20];
	v7 =	vunpack.i.u.bf16.f32 v12;
	v12 =	vunpack.i.u.bf16.f32 v11;
	v11 =	vunpack.i.l.bf16.f32 v11  }
0xe2: {  	v24 =	vmul.bf16 v56, v27;
	v16 =	vmul.bf16 v25, v16;
	v12 =	vadd.f32 v11, v12;
	v11 =	vld [tilespmem:s28+$0x50]  }
0xe3: {  	v19 =	vadd.f32 v19, v58;
	v9 =	vmul.bf16 v9, v17;
	v17 =	vadd.f32 v18, v7;
	v18 =	vld [tilespmem:s28+$0x30]  }
0xe4: {  	v21 =	vld [tilespmem:s26+$0x60];
	v10 =	vadd.f32 v57, v10;
	v7 =	vunpack.i.u.bf16.f32 v16;
	v16 =	vunpack.i.l.bf16.f32 v16  }
0xe5: {  	s11 =	simm.s32 $0x6;
	v61 =	vunpack.i.u.bf16.f32 v9;
	v9 =	vunpack.i.l.bf16.f32 v9;
	v14 =	vadd.f32 v17, v14;
	v17 =	vld [tilespmem:s28+$0x40]  }
0xe6: {  	s6 =	sadd.s32 $0x100, s26;
	v16 =	vadd.f32 v16, v7;
	v7 =	vmov s11;
	v15 =	vadd.f32 v19, v15;
	v19 =	vld [tilespmem:s28+$0x60]  }
0xe7: {  	v62 =	vld [tilespmem:s6+$0xFFFFFFE0];
	v20 =	vmul.bf16 v23, v20;
	v13 =	vadd.f32 v13, v14;
	v14 =	vadd.f32 v9, v61  }
0xe8: {  	v23 =	vadd.f32 v16, v15;
	v9 =	vld [tilespmem:s6+$0x10];
	v22 =	vmul.bf16 v22, v11;
	v15 =	vmul.bf16 v59, v18  }
0xe9: {  	v11 =	vld [tilespmem:s6+$0x0];
	v18 =	vadd.f32 v12, v13;
	v25 =	vadd.f32 v14, v10;
	v10 =	vunpack.i.u.bf16.f32 v20  }
0xea: {  	v12 =	vld [tilespmem:s6+$0xFFFFFFF0];
	v13 =	vunpack.i.u.bf16.f32 v15;
	v14 =	vunpack.i.l.bf16.f32 v15;
	v15 =	vmul.bf16 v60, v17  }
0xeb: {  	v19 =	vmul.bf16 v21, v19;
	v16 =	vunpack.i.u.bf16.f32 v22;
	v17 =	vunpack.i.l.bf16.f32 v22;
	v22 =	vld [tilespmem:s10+$0xFFFFFFE0];
	(xrf2) =	vadd.scan.msk.f32 $0xffff, v18  }
0xec: {  	v14 =	vadd.f32 v14, v13;
	v13 =	vld [tilespmem:s6+$0xFFFFFFD0];
	v21 =	vunpack.i.u.bf16.f32 v15;
	v26 =	vunpack.i.l.bf16.f32 v15  }
0xed: {  	v20 =	vunpack.i.l.bf16.f32 v20;
	v17 =	vadd.f32 v17, v16;
	v16 =	vld [tilespmem:s6+$0xFFFFFFC0];
	v21 =	vadd.f32 v26, v21  }
0xee: {  	s18 =	simm.s32 $0x7;
	v20 =	vadd.f32 v20, v10;
	v63 =	vunpack.i.u.bf16.f32 v19;
	v19 =	vunpack.i.l.bf16.f32 v19;
	v18 =	vld [tilespmem:s6+$0xFFFFFF90];
	(xrf2) =	vadd.scan.msk.f32 $0xffff, v23  }
0xef: {  	v10 =	vmov s18;
	v15 =	vld [tilespmem:s10+$0xFFFFFFD0];
	v26 =	vadd.f32 v19, v63;
	v28 =	vadd.f32 v17, v21  }
0xf0: {  	s29 =	simm.s32 $0x4;
	v19 =	vadd.f32 v20, v25;
	v17 =	vld [tilespmem:s10+$0xFFFFFFC0];
	v21 =	vunpack.i.l.bf16.f32 v24;
	v24 =	vunpack.i.u.bf16.f32 v24  }
0xf1: {  	s7 =	simm.s32 $0x0;
	s8 =	smov.u32 s10;
	s9 =	simm.s32 $0x8;
	v20 =	vld [tilespmem:s10+$0xFFFFFF90];
	v22 =	vmul.bf16 v62, v22;
	v21 =	vadd.f32 v21, v24;
	v23 =	vadd.f32 v26, v28  }
.LBB2_8:
0xf2: {  	p1 =	slt.u32 s9, $0xC  }
0xf3: {  	v24 =	vld [tilespmem:s6+$0xFFFFFF80];
	s10 =	sadd.s32 $0x100, s10;
	vm1 =	veq.s32 v4, v0;
	vm0 =	veq.s32 v3, v0;
	v4 =	vmovc v7;
	v3 =	vmov v10;
	s11 =	smov.u32 s9;
	s9 =	sadd.s32 $0x4, s9  }
0xf4: {  	v7 =	vld [tilespmem:s10+$0xFFFFFF80];
	s18 =	sadd.s32 $0x1, s11;
	v10 =	vunpack.i.u.bf16.f32 v22;
	v22 =	vunpack.i.l.bf16.f32 v22;
	v21 =	vadd.f32 v21, v23  }
0xf5: {  	v14 =	vadd.f32 v14, v19;
	v23 =	vmov s18;
	v25 =	vld [tilespmem:s8+$0xFFFFFFA0];
	v16 =	vmul.bf16 v16, v17;
	v17, _, _ =	vpop (xrf2)  }
0xf6: {  	v13 =	vmul.bf16 v13, v15;
	vm2 =	veq.s32 v5, v0;
	v10 =	vadd.f32 v22, v10;
	v19 =	vld [tilespmem:s6+$0xFFFFFFA0];
	(xrf2) =	vadd.scan.msk.f32 $0xffff, v21  }
0xf7: {  	v5 =	vmovc v2;
	v21 =	vmov s7;
	v2 =	vmovc v23;
	s7 =	smov.u32 s29;
	s29 =	smov.u32 s11;
	v15 =	vmul.bf16 v18, v20;
	v18 =	vunpack.i.u.bf16.f32 v16;
	v20 =	vld [tilespmem:s8+$0xFFFFFFF0]  }
0xf8: {  	v17 =	vbroadcast v17, $0xF;
	v16 =	vunpack.i.l.bf16.f32 v16;
	v22 =	vmul.bf16 v24, v8;
	v23 =	vld [tilespmem:s8+$0x0];
	v8, _, _ =	vpop (xrf2)  }
0xf9: {  	v24 =	vunpack.i.u.bf16.f32 v15;
	v15 =	vunpack.i.l.bf16.f32 v15;
	v26 =	vld [tilespmem:s6+$0xFFFFFFB0];
	v27 =	vbroadcast v8, $0xF;
	(xrf2) =	vadd.scan.msk.f32 $0xffff, v14;
	v8 =	vmovc v7  }
0xfa: {  	vm3 =	veq.s32 v21, v0;
	v7 =	vunpack.i.u.bf16.f32 v22;
	v14 =	vadd.f32 v15, v24;
	v15 =	vld [tilespmem:s8+$0xFFFFFFB0]  }
0xfb: {  	v16 =	vadd.f32 v16, v18;
	v21 =	vunpack.i.l.bf16.f32 v22;
	v18 =	vld [tilespmem:s8+$0x10];
	v6 =	vsel vm3, v27, v6  }
0xfc: {  	s11 =	sadd.s32 $0x2, s29;
	v21 =	vadd.f32 v21, v7;
	v12 =	vmul.bf16 v12, v20;
	v20 =	vld [tilespmem:s6+$0x70];
	v6 =	vsel vm2, v17, v6  }
0xfd: {  	v7 =	vmov s11;
	v17 =	vunpack.i.l.bf16.f32 v13;
	v11 =	vmul.bf16 v11, v23;
	v22 =	vld [tilespmem:s8+$0x70]  }
0xfe: {  	v13 =	vunpack.i.u.bf16.f32 v13;
	v14 =	vadd.f32 v14, v21;
	v27 =	vunpack.i.u.bf16.f32 v12;
	v23 =	vld [tilespmem:s6+$0x60]  }
0xff: {  	v19 =	vmul.bf16 v19, v25;
	v12 =	vunpack.i.l.bf16.f32 v12;
	v24 =	vunpack.i.l.bf16.f32 v11;
	v25 =	vld [tilespmem:s6+$0x50]  }
0x100: {  	v15 =	vmul.bf16 v26, v15;
	v12 =	vadd.f32 v12, v27;
	v9 =	vmul.bf16 v9, v18;
	v18 =	vld [tilespmem:s6+$0x20];
	v21, _, _ =	vpop (xrf2)  }
0x101: {  	v13 =	vadd.f32 v17, v13;
	v11 =	vunpack.i.u.bf16.f32 v11;
	v17 =	vld [tilespmem:s8+$0x20];
	v21 =	vbroadcast v21, $0xF  }
0x102: {  	v26 =	vunpack.i.u.bf16.f32 v15;
	v15 =	vunpack.i.l.bf16.f32 v15;
	v27 =	vld [tilespmem:s8+$0x50];
	v20 =	vmul.bf16 v20, v22  }
0x103: {  	v22 =	vunpack.i.u.bf16.f32 v19;
	v19 =	vunpack.i.l.bf16.f32 v19;
	v15 =	vadd.f32 v15, v26;
	v26 =	vld [tilespmem:s8+$0x30];
	v28, _, _ =	vpop (xrf2)  }
0x104: {  	v13 =	vadd.f32 v13, v16;
	v19 =	vadd.f32 v19, v22;
	v16 =	vld [tilespmem:s6+$0x30];
	v22 =	vbroadcast v28, $0xF  }
0x105: {  	v24 =	vadd.f32 v24, v11;
	v11 =	vunpack.i.u.bf16.f32 v9;
	v9 =	vunpack.i.l.bf16.f32 v9;
	v28 =	vld [tilespmem:s6+$0x40]  }
0x106: {  	v10 =	vadd.f32 v10, v13;
	v14 =	vadd.f32 v19, v14;
	v13 =	vld [tilespmem:s8+$0x40];
	v6 =	vsel vm1, v22, v6  }
0x107: {  	v19 =	vadd.f32 v9, v11;
	s6 =	sadd.s32 $0x100, s6;
	v22 =	vmul.bf16 v25, v27;
	v25 =	vld [tilespmem:s8+$0x60];
	v6 =	vsel vm0, v21, v6;
	s8 =	smov.u32 s10  }
0x108: {  	s11 =	sadd.s32 $0x3, s29;
	v21 =	vadd.f32 v15, v14;
	v14 =	vadd.f32 v12, v10;
	v15 =	vmul.bf16 v18, v17;
	v9 =	vld [tilespmem:s6+$0x10]  }
0x109: {  	v10 =	vmov s11;
	v19 =	vadd.f32 v19, v24;
	v11 =	vld [tilespmem:s6+$0x0];
	v16 =	vmul.bf16 v16, v26  }
0x10a: {  	v17 =	vunpack.i.u.bf16.f32 v15;
	v18 =	vunpack.i.u.bf16.f32 v22;
	v22 =	vunpack.i.l.bf16.f32 v22;
	v12 =	vld [tilespmem:s6+$0xFFFFFFF0]  }
0x10b: {  	v24 =	vld [tilespmem:s6+$0xFFFFFFE0];
	v26 =	vunpack.i.u.bf16.f32 v16;
	v16 =	vunpack.i.l.bf16.f32 v16;
	v27 =	vmul.bf16 v28, v13;
	(xrf2) =	vadd.scan.msk.f32 $0xffff, v14  }
0x10c: {  	v29 =	vunpack.i.l.bf16.f32 v15;
	v28 =	vld [tilespmem:s10+$0xFFFFFFE0];
	v14 =	vadd.f32 v16, v26;
	v23 =	vmul.bf16 v23, v25  }
0x10d: {  	v18 =	vadd.f32 v22, v18;
	v13 =	vld [tilespmem:s6+$0xFFFFFFD0];
	v16 =	vunpack.i.u.bf16.f32 v27;
	v25 =	vunpack.i.l.bf16.f32 v27  }
.Ltmp2:
0x10e: {  	v22 =	vadd.f32 v29, v17;
	v15 =	vld [tilespmem:s10+$0xFFFFFFD0];
	v25 =	vadd.f32 v25, v16;
	v26 =	vunpack.i.u.bf16.f32 v23;
	(xrf2) =	vadd.scan.msk.f32 $0xffff, v21;
	(pc) =	sbr.rel @p1 .LBB2_8-.Ltmp2, $4  }
0x10f: {  	v21 =	vunpack.i.l.bf16.f32 v23;
	v23 =	vunpack.i.l.bf16.f32 v20;
	v16 =	vld [tilespmem:s6+$0xFFFFFFC0]  }
0x110: {  	v20 =	vunpack.i.u.bf16.f32 v20;
	v26 =	vadd.f32 v21, v26;
	v17 =	vld [tilespmem:s10+$0xFFFFFFC0];
	v25 =	vadd.f32 v18, v25  }
0x111: {  	v19 =	vadd.f32 v22, v19;
	v21 =	vadd.f32 v23, v20;
	v18 =	vld [tilespmem:s6+$0xFFFFFF90]  }
0x112: {  	v22 =	vmul.bf16 v24, v28;
	v20 =	vld [tilespmem:s10+$0xFFFFFF90];
	v23 =	vadd.f32 v26, v25  }
0x113: {  	v24 =	vld [tilespmem:s6+$0xFFFFFF80]  }
0x114: {  	v25 =	vld [tilespmem:s8+$0xFFFFFFA0]  }
0x115: {  	v26 =	vld [tilespmem:s6+$0xFFFFFFA0]  }
0x116: {  	v27 =	vld [tilespmem:s8+$0xFFFFFFF0]  }
0x117: {  	v28 =	vld [tilespmem:s8+$0x0]  }
0x118: {  	v30 =	vld [tilespmem:s6+$0xFFFFFFB0]  }
0x119: {  	v42 =	vld [tilespmem:s8+$0xFFFFFFB0]  }
0x11a: {  	v43 =	vld [tilespmem:s8+$0x10]  }
0x11b: {  	v49 =	vld [tilespmem:s6+$0x60]  }
0x11c: {  	v50 =	vld [tilespmem:s6+$0x50]  }
0x11d: {  	v52 =	vld [tilespmem:s6+$0x20]  }
0x11e: {  	v54 =	vld [tilespmem:s8+$0x20]  }
0x11f: {  	v55 =	vld [tilespmem:s8+$0x50]  }
0x120: {  	v14 =	vadd.f32 v14, v19;
	v13 =	vmul.bf16 v13, v15;
	v57 =	vld [tilespmem:s8+$0x30]  }
0x121: {  	v60 =	vld [tilespmem:s6+$0x40];
	v29 =	vunpack.i.u.bf16.f32 v22;
	v41 =	vunpack.i.l.bf16.f32 v22;
	v21 =	vadd.f32 v21, v23  }
0x122: {  	v62 =	vld [tilespmem:s8+$0x40];
	v16 =	vmul.bf16 v16, v17;
	v22 =	vadd.f32 v41, v29;
	v51 =	vunpack.i.l.bf16.f32 v13  }
0x123: {  	v63 =	vld [tilespmem:s6+$0x30];
	v13 =	vunpack.i.u.bf16.f32 v13;
	v18 =	vmul.bf16 v18, v20;
	v8 =	vmul.bf16 v24, v8  }
0x124: {  	v32 =	vld [tilespmem:s8+$0x60];
	v13 =	vadd.f32 v51, v13;
	v12 =	vmul.bf16 v12, v27;
	v11 =	vmul.bf16 v11, v28  }
0x125: {  	v48 =	vunpack.i.u.bf16.f32 v16;
	v25 =	vmul.bf16 v26, v25;
	v20 =	vmul.bf16 v30, v42  }
0x126: {  	v16 =	vunpack.i.l.bf16.f32 v16;
	v9 =	vmul.bf16 v9, v43;
	v33 =	vmul.bf16 v50, v55  }
0x127: {  	v16 =	vadd.f32 v16, v48;
	v34 =	vmul.bf16 v52, v54;
	v35 =	vmul.bf16 v60, v62  }
0x128: {  	v45 =	vld [tilespmem:s6+$0x70];
	v36 =	vmul.bf16 v63, v57;
	v44 =	vunpack.i.u.bf16.f32 v18;
	v18 =	vunpack.i.l.bf16.f32 v18  }
0x129: {  	v47 =	vld [tilespmem:s8+$0x70];
	v38 =	vmul.bf16 v49, v32;
	v46 =	vunpack.i.u.bf16.f32 v8;
	v15 =	vadd.f32 v18, v44  }
0x12a: {  	v8 =	vunpack.i.l.bf16.f32 v8;
	v53 =	vunpack.i.u.bf16.f32 v12;
	v12 =	vunpack.i.l.bf16.f32 v12  }
0x12b: {  	v56 =	vunpack.i.u.bf16.f32 v25;
	v25 =	vunpack.i.l.bf16.f32 v25;
	v58 =	vunpack.i.l.bf16.f32 v11  }
0x12c: {  	v61 =	vunpack.i.u.bf16.f32 v20;
	v20 =	vunpack.i.l.bf16.f32 v20;
	v13 =	vadd.f32 v13, v16  }
0x12d: {  	v11 =	vunpack.i.u.bf16.f32 v11;
	v31 =	vunpack.i.u.bf16.f32 v9;
	v9 =	vunpack.i.l.bf16.f32 v9  }
0x12e: {  	v18 =	vmul.bf16 v45, v47;
	v37 =	vunpack.i.u.bf16.f32 v33;
	v17 =	vunpack.i.l.bf16.f32 v33  }
0x12f: {  	v39 =	vunpack.i.u.bf16.f32 v35;
	v8 =	vadd.f32 v8, v46;
	v12 =	vadd.f32 v12, v53  }
0x130: {  	v42 =	vunpack.i.u.bf16.f32 v38;
	v59 =	vadd.f32 v25, v56;
	v20 =	vadd.f32 v20, v61  }
0x131: {  	v19 =	vunpack.i.l.bf16.f32 v38;
	v11 =	vadd.f32 v58, v11;
	v9 =	vadd.f32 v9, v31  }
0x132: {  	v40 =	vunpack.i.u.bf16.f32 v34;
	v16 =	vadd.f32 v17, v37;
	v43 =	vadd.f32 v19, v42  }
0x133: {  	v13 =	vadd.f32 v22, v13;
	v9 =	vadd.f32 v9, v11;
	v11 =	vunpack.i.l.bf16.f32 v35  }
0x134: {  	v44 =	vunpack.i.l.bf16.f32 v18;
	v18 =	vunpack.i.u.bf16.f32 v18;
	v11 =	vadd.f32 v11, v39  }
0x135: {  	v41 =	vunpack.i.u.bf16.f32 v36;
	v8 =	vadd.f32 v15, v8;
	v18 =	vadd.f32 v44, v18  }
0x136: {  	v12 =	vadd.f32 v12, v13;
	v13 =	vunpack.i.l.bf16.f32 v34;
	v11 =	vadd.f32 v16, v11  }
0x137: {  	v15 =	vunpack.i.l.bf16.f32 v36;
	v8 =	vadd.f32 v59, v8;
	v13 =	vadd.f32 v13, v40  }
0x138: {  	(xrf2) =	vadd.scan.msk.f32 $0xffff, v21;
	v45 =	vadd.f32 v15, v41;
	v11 =	vadd.f32 v43, v11  }
0x139: {  	(xrf2) =	vadd.scan.msk.f32 $0xffff, v14;
	v8 =	vadd.f32 v20, v8;
	v9 =	vadd.f32 v13, v9  }
0x13a: {  	(xrf2) =	vadd.scan.msk.f32 $0xffff, v12;
	v11 =	vadd.f32 v18, v11  }
0x13b: {  	(xrf2) =	vadd.scan.msk.f32 $0xffff, v8;
	v46 =	vadd.f32 v45, v9  }
0x13c: {  	(xrf2) =	vadd.scan.msk.f32 $0xffff, v11  }
0x13d: {  	(xrf2) =	vadd.scan.msk.f32 $0xffff, v46;
	_ =	sdelay $0x2  }
0x13e: {  	v47, _, _ =	vpop (xrf2)  }
0x13f: {  	v48, _, _ =	vpop (xrf2)  }
0x140: {  	v50 =	vmov s7;
	v49, _, _ =	vpop (xrf2);
	v9 =	vbroadcast v48, $0xF  }
0x141: {  	vm0 =	veq.s32 v4, v0;
	vm1 =	veq.s32 v50, v0;
	v52 =	vbroadcast v47, $0xF;
	v51, _, _ =	vpop (xrf2)  }
0x142: {  	vm2 =	veq.s32 v5, v0;
	v55 =	vbroadcast v51, $0xF;
	v54 =	vsel vm1, v9, v6;
	v53, _, _ =	vpop (xrf2)  }
0x143: {  	vm11 =	veq.s32 v3, v0;
	v57 =	vbroadcast v49, $0xF;
	v3 =	vsel vm2, v52, v54;
	v56, _, _ =	vpop (xrf2)  }
0x144: {  	v58 =	vmov s29;
	s29 =	sshll.u32 s25, $0x4;
	s25 =	sadd.s32 $0x1, s25;
	v3 =	vsel vm0, v55, v3;
	v59 =	vbroadcast v56, $0xF;
	v60, _, _ =	vpop (xrf2)  }
0x145: {  	vm12 =	veq.s32 v58, v0;
	p1 =	sne.s32 s25, $0x5;
	v3 =	vsel vm11, v57, v3;
	v61 =	vbroadcast v53, $0xF;
	v62, _, _ =	vpop (xrf2)  }
.Ltmp3:
0x146: {  	vm13 =	veq.s32 v2, v0;
	v2 =	vsel vm12, v59, v3;
	v3 =	vbroadcast v62, $0xF;
	(pc) =	sbr.rel @p1 .LBB2_7-.Ltmp3, $4  }
0x147: {  	vm14 =	veq.s32 v7, v0;
	v2 =	vsel vm13, v61, v2;
	v63 =	vbroadcast v60, $0xF  }
0x148: {  	vm15 =	veq.s32 v10, v0;
	v2 =	vsel vm14, v3, v2  }
0x149: {  	s6 =	sand.u32 $0x3FFFFFF0, s29;
	v2 =	vsel vm15, v63, v2  }
0x14a: {  	s26 =	sadd.s32 $0x400, s26;
	s28 =	sadd.s32 $0x400, s28;
	[tilespmem:v1+s6+$0x0 ss:$0x1] =	vst.idx.msk $0xffff, v2  }
0x14b: {  	s6 =	sadd.s32 @!p0 $0x1E0, s21;
	s7 =	simm.s32 @!p0 $0x50;
	s8 =	simm.s32 @!p0 $0x6220  }
0x14c: {  	[tilespmem:s8], [sflag:$0x2] =	stream.indirect.gather @!p0 [hbm4b:s5+s7], $0x40, s6, s7, $0xb8;
	[tilespmem:$0x11940] =	vst v63  }
0x14d: {  	s6 =	sadd.s32 @!p0 $0x28F0, s21;
	s8 =	simm.s32 @!p0 $0xC620  }
0x14e: {  	[tilespmem:s8], [sflag:$0x7] =	stream.indirect.gather @!p0 [hbm4b:s5+s7], $0x40, s6, s7, $0xb8;
	[tilespmem:$0x11940] =	vst v63  }
0x14f: {  	_ =	swait.ge [sflag:s12], $0x1400  }
0x150: {  	[sflag:s12] =	ssyncset.done $0x0  }
0x151: {  	[sflag:s12] =	ssyncadd.s32 $0xFFFFEC00  }
0x152: {  	_ =	swait.ge [sflag:s13], $0x1400  }
0x153: {  	s29 =	sadd.s32 $0x116C0, s24;
	s25 =	simm.s32 $0x0;
	[sflag:s13] =	ssyncset.done $0x0  }
0x154: {  	s26 =	simm.s32 $0xDAA0;
	s28 =	simm.s32 $0x76A0;
	v1 =	vmov s29;
	[sflag:s13] =	ssyncadd.s32 $0xFFFFEC00  }
.LBB2_11:
0x155: {  	v7 =	vld [tilespmem:s28+$0xFFFFFF80]  }
0x156: {  	v10 =	vld [tilespmem:s26+$0x0]  }
0x157: {  	v11 =	vld [tilespmem:s26+$0xFFFFFFF0]  }
0x158: {  	v2 =	vld [tilespmem:s26+$0xFFFFFFE0]  }
0x159: {  	v3 =	vld [tilespmem:s28+$0xFFFFFFE0]  }
0x15a: {  	v12 =	vld [tilespmem:s26+$0xFFFFFFD0]  }
0x15b: {  	v13 =	vld [tilespmem:s28+$0xFFFFFFD0]  }
0x15c: {  	v14 =	vld [tilespmem:s26+$0xFFFFFFC0]  }
0x15d: {  	v15 =	vld [tilespmem:s28+$0xFFFFFFC0]  }
0x15e: {  	v16 =	vld [tilespmem:s26+$0xFFFFFF90]  }
0x15f: {  	v17 =	vld [tilespmem:s28+$0xFFFFFF90]  }
0x160: {  	v18 =	vld [tilespmem:s26+$0xFFFFFF80]  }
0x161: {  	v19 =	vld [tilespmem:s28+$0xFFFFFFA0]  }
0x162: {  	v20 =	vld [tilespmem:s26+$0xFFFFFFA0]  }
0x163: {  	v21 =	vld [tilespmem:s28+$0xFFFFFFF0]  }
0x164: {  	v22 =	vld [tilespmem:s28+$0x0]  }
0x165: {  	v9 =	vld [tilespmem:s26+$0x10];
	s6 =	simm.s32 $0x1;
	v6 =	vimm.f32 $0.0e+00  }
0x166: {  	s7 =	simm.s32 $0x2;
	v25 =	vld [tilespmem:s26+$0xFFFFFFB0];
	v5 =	vmov s6;
	v2 =	vmul.bf16 v2, v3;
	v14 =	vmul.bf16 v14, v15  }
0x167: {  	s8 =	simm.s32 $0x3;
	v56 =	vld [tilespmem:s26+$0x70];
	v4 =	vmov s7;
	v15 =	vmul.bf16 v16, v17;
	v12 =	vmul.bf16 v12, v13  }
0x168: {  	v27 =	vld [tilespmem:s28+$0x70];
	v3 =	vmov s8;
	v7 =	vmul.bf16 v18, v7;
	v11 =	vmul.bf16 v11, v21  }
0x169: {  	s9 =	simm.s32 $0x5;
	v59 =	vld [tilespmem:s26+$0x30];
	v10 =	vmul.bf16 v10, v22;
	v19 =	vmul.bf16 v20, v19;
	v23 =	vunpack.i.u.bf16.f32 v2  }
0x16a: {  	s10 =	sadd.s32 $0x100, s28;
	v60 =	vld [tilespmem:s26+$0x40];
	v24 =	vunpack.i.l.bf16.f32 v2;
	v2 =	vmov s9;
	v18 =	vunpack.i.u.bf16.f32 v14  }
0x16b: {  	v8 =	vld [tilespmem:s10+$0xFFFFFF80];
	v14 =	vunpack.i.l.bf16.f32 v14;
	v26 =	vunpack.i.u.bf16.f32 v7;
	v7 =	vunpack.i.l.bf16.f32 v7  }
0x16c: {  	v16 =	vld [tilespmem:s28+$0xFFFFFFB0];
	v13 =	vadd.f32 v24, v23;
	v23 =	vunpack.i.u.bf16.f32 v15;
	v15 =	vunpack.i.l.bf16.f32 v15  }
0x16d: {  	v17 =	vld [tilespmem:s28+$0x10];
	v57 =	vunpack.i.l.bf16.f32 v10;
	v7 =	vadd.f32 v7, v26;
	v15 =	vadd.f32 v15, v23  }
0x16e: {  	v22 =	vld [tilespmem:s26+$0x50];
	v58 =	vunpack.i.u.bf16.f32 v19;
	v19 =	vunpack.i.l.bf16.f32 v19;
	v10 =	vunpack.i.u.bf16.f32 v10  }
0x16f: {  	v20 =	vld [tilespmem:s28+$0x20];
	v14 =	vadd.f32 v14, v18;
	v18 =	vunpack.i.l.bf16.f32 v12;
	v15 =	vadd.f32 v15, v7  }
0x170: {  	v23 =	vld [tilespmem:s26+$0x20];
	v7 =	vunpack.i.u.bf16.f32 v12;
	v12 =	vunpack.i.u.bf16.f32 v11;
	v11 =	vunpack.i.l.bf16.f32 v11  }
0x171: {  	v24 =	vmul.bf16 v56, v27;
	v16 =	vmul.bf16 v25, v16;
	v12 =	vadd.f32 v11, v12;
	v11 =	vld [tilespmem:s28+$0x50]  }
0x172: {  	v19 =	vadd.f32 v19, v58;
	v9 =	vmul.bf16 v9, v17;
	v17 =	vadd.f32 v18, v7;
	v18 =	vld [tilespmem:s28+$0x30]  }
0x173: {  	v21 =	vld [tilespmem:s26+$0x60];
	v10 =	vadd.f32 v57, v10;
	v7 =	vunpack.i.u.bf16.f32 v16;
	v16 =	vunpack.i.l.bf16.f32 v16  }
0x174: {  	s11 =	simm.s32 $0x6;
	v61 =	vunpack.i.u.bf16.f32 v9;
	v9 =	vunpack.i.l.bf16.f32 v9;
	v14 =	vadd.f32 v17, v14;
	v17 =	vld [tilespmem:s28+$0x40]  }
0x175: {  	s6 =	sadd.s32 $0x100, s26;
	v16 =	vadd.f32 v16, v7;
	v7 =	vmov s11;
	v15 =	vadd.f32 v19, v15;
	v19 =	vld [tilespmem:s28+$0x60]  }
0x176: {  	v62 =	vld [tilespmem:s6+$0xFFFFFFE0];
	v20 =	vmul.bf16 v23, v20;
	v13 =	vadd.f32 v13, v14;
	v14 =	vadd.f32 v9, v61  }
0x177: {  	v23 =	vadd.f32 v16, v15;
	v9 =	vld [tilespmem:s6+$0x10];
	v22 =	vmul.bf16 v22, v11;
	v15 =	vmul.bf16 v59, v18  }
0x178: {  	v11 =	vld [tilespmem:s6+$0x0];
	v18 =	vadd.f32 v12, v13;
	v25 =	vadd.f32 v14, v10;
	v10 =	vunpack.i.u.bf16.f32 v20  }
0x179: {  	v12 =	vld [tilespmem:s6+$0xFFFFFFF0];
	v13 =	vunpack.i.u.bf16.f32 v15;
	v14 =	vunpack.i.l.bf16.f32 v15;
	v15 =	vmul.bf16 v60, v17  }
0x17a: {  	v19 =	vmul.bf16 v21, v19;
	v16 =	vunpack.i.u.bf16.f32 v22;
	v17 =	vunpack.i.l.bf16.f32 v22;
	v22 =	vld [tilespmem:s10+$0xFFFFFFE0];
	(xrf2) =	vadd.scan.msk.f32 $0xffff, v18  }
0x17b: {  	v14 =	vadd.f32 v14, v13;
	v13 =	vld [tilespmem:s6+$0xFFFFFFD0];
	v21 =	vunpack.i.u.bf16.f32 v15;
	v26 =	vunpack.i.l.bf16.f32 v15  }
0x17c: {  	v20 =	vunpack.i.l.bf16.f32 v20;
	v17 =	vadd.f32 v17, v16;
	v16 =	vld [tilespmem:s6+$0xFFFFFFC0];
	v21 =	vadd.f32 v26, v21  }
0x17d: {  	s18 =	simm.s32 $0x7;
	v20 =	vadd.f32 v20, v10;
	v63 =	vunpack.i.u.bf16.f32 v19;
	v19 =	vunpack.i.l.bf16.f32 v19;
	v18 =	vld [tilespmem:s6+$0xFFFFFF90];
	(xrf2) =	vadd.scan.msk.f32 $0xffff, v23  }
0x17e: {  	v10 =	vmov s18;
	v15 =	vld [tilespmem:s10+$0xFFFFFFD0];
	v26 =	vadd.f32 v19, v63;
	v28 =	vadd.f32 v17, v21  }
0x17f: {  	s29 =	simm.s32 $0x4;
	v19 =	vadd.f32 v20, v25;
	v17 =	vld [tilespmem:s10+$0xFFFFFFC0];
	v21 =	vunpack.i.l.bf16.f32 v24;
	v24 =	vunpack.i.u.bf16.f32 v24  }
0x180: {  	s7 =	simm.s32 $0x0;
	s8 =	smov.u32 s10;
	s9 =	simm.s32 $0x8;
	v20 =	vld [tilespmem:s10+$0xFFFFFF90];
	v22 =	vmul.bf16 v62, v22;
	v21 =	vadd.f32 v21, v24;
	v23 =	vadd.f32 v26, v28  }
.LBB2_12:
0x181: {  	p1 =	slt.u32 s9, $0xC  }
0x182: {  	v24 =	vld [tilespmem:s6+$0xFFFFFF80];
	s10 =	sadd.s32 $0x100, s10;
	vm1 =	veq.s32 v4, v0;
	vm0 =	veq.s32 v3, v0;
	v4 =	vmovc v7;
	v3 =	vmov v10;
	s11 =	smov.u32 s9;
	s9 =	sadd.s32 $0x4, s9  }
0x183: {  	v7 =	vld [tilespmem:s10+$0xFFFFFF80];
	s18 =	sadd.s32 $0x1, s11;
	v10 =	vunpack.i.u.bf16.f32 v22;
	v22 =	vunpack.i.l.bf16.f32 v22;
	v21 =	vadd.f32 v21, v23  }
0x184: {  	v14 =	vadd.f32 v14, v19;
	v23 =	vmov s18;
	v25 =	vld [tilespmem:s8+$0xFFFFFFA0];
	v16 =	vmul.bf16 v16, v17;
	v17, _, _ =	vpop (xrf2)  }
0x185: {  	v13 =	vmul.bf16 v13, v15;
	vm2 =	veq.s32 v5, v0;
	v10 =	vadd.f32 v22, v10;
	v19 =	vld [tilespmem:s6+$0xFFFFFFA0];
	(xrf2) =	vadd.scan.msk.f32 $0xffff, v21  }
0x186: {  	v5 =	vmovc v2;
	v21 =	vmov s7;
	v2 =	vmovc v23;
	s7 =	smov.u32 s29;
	s29 =	smov.u32 s11;
	v15 =	vmul.bf16 v18, v20;
	v18 =	vunpack.i.u.bf16.f32 v16;
	v20 =	vld [tilespmem:s8+$0xFFFFFFF0]  }
0x187: {  	v17 =	vbroadcast v17, $0xF;
	v16 =	vunpack.i.l.bf16.f32 v16;
	v22 =	vmul.bf16 v24, v8;
	v23 =	vld [tilespmem:s8+$0x0];
	v8, _, _ =	vpop (xrf2)  }
0x188: {  	v24 =	vunpack.i.u.bf16.f32 v15;
	v15 =	vunpack.i.l.bf16.f32 v15;
	v26 =	vld [tilespmem:s6+$0xFFFFFFB0];
	v27 =	vbroadcast v8, $0xF;
	(xrf2) =	vadd.scan.msk.f32 $0xffff, v14;
	v8 =	vmovc v7  }
0x189: {  	vm3 =	veq.s32 v21, v0;
	v7 =	vunpack.i.u.bf16.f32 v22;
	v14 =	vadd.f32 v15, v24;
	v15 =	vld [tilespmem:s8+$0xFFFFFFB0]  }
0x18a: {  	v16 =	vadd.f32 v16, v18;
	v21 =	vunpack.i.l.bf16.f32 v22;
	v18 =	vld [tilespmem:s8+$0x10];
	v6 =	vsel vm3, v27, v6  }
0x18b: {  	s11 =	sadd.s32 $0x2, s29;
	v21 =	vadd.f32 v21, v7;
	v12 =	vmul.bf16 v12, v20;
	v20 =	vld [tilespmem:s6+$0x70];
	v6 =	vsel vm2, v17, v6  }
0x18c: {  	v7 =	vmov s11;
	v17 =	vunpack.i.l.bf16.f32 v13;
	v11 =	vmul.bf16 v11, v23;
	v22 =	vld [tilespmem:s8+$0x70]  }
0x18d: {  	v13 =	vunpack.i.u.bf16.f32 v13;
	v14 =	vadd.f32 v14, v21;
	v27 =	vunpack.i.u.bf16.f32 v12;
	v23 =	vld [tilespmem:s6+$0x60]  }
0x18e: {  	v19 =	vmul.bf16 v19, v25;
	v12 =	vunpack.i.l.bf16.f32 v12;
	v24 =	vunpack.i.l.bf16.f32 v11;
	v25 =	vld [tilespmem:s6+$0x50]  }
0x18f: {  	v15 =	vmul.bf16 v26, v15;
	v12 =	vadd.f32 v12, v27;
	v9 =	vmul.bf16 v9, v18;
	v18 =	vld [tilespmem:s6+$0x20];
	v21, _, _ =	vpop (xrf2)  }
0x190: {  	v13 =	vadd.f32 v17, v13;
	v11 =	vunpack.i.u.bf16.f32 v11;
	v17 =	vld [tilespmem:s8+$0x20];
	v21 =	vbroadcast v21, $0xF  }
0x191: {  	v26 =	vunpack.i.u.bf16.f32 v15;
	v15 =	vunpack.i.l.bf16.f32 v15;
	v27 =	vld [tilespmem:s8+$0x50];
	v20 =	vmul.bf16 v20, v22  }
0x192: {  	v22 =	vunpack.i.u.bf16.f32 v19;
	v19 =	vunpack.i.l.bf16.f32 v19;
	v15 =	vadd.f32 v15, v26;
	v26 =	vld [tilespmem:s8+$0x30];
	v28, _, _ =	vpop (xrf2)  }
0x193: {  	v13 =	vadd.f32 v13, v16;
	v19 =	vadd.f32 v19, v22;
	v16 =	vld [tilespmem:s6+$0x30];
	v22 =	vbroadcast v28, $0xF  }
0x194: {  	v24 =	vadd.f32 v24, v11;
	v11 =	vunpack.i.u.bf16.f32 v9;
	v9 =	vunpack.i.l.bf16.f32 v9;
	v28 =	vld [tilespmem:s6+$0x40]  }
0x195: {  	v10 =	vadd.f32 v10, v13;
	v14 =	vadd.f32 v19, v14;
	v13 =	vld [tilespmem:s8+$0x40];
	v6 =	vsel vm1, v22, v6  }
0x196: {  	v19 =	vadd.f32 v9, v11;
	s6 =	sadd.s32 $0x100, s6;
	v22 =	vmul.bf16 v25, v27;
	v25 =	vld [tilespmem:s8+$0x60];
	v6 =	vsel vm0, v21, v6;
	s8 =	smov.u32 s10  }
0x197: {  	s11 =	sadd.s32 $0x3, s29;
	v21 =	vadd.f32 v15, v14;
	v14 =	vadd.f32 v12, v10;
	v15 =	vmul.bf16 v18, v17;
	v9 =	vld [tilespmem:s6+$0x10]  }
0x198: {  	v10 =	vmov s11;
	v19 =	vadd.f32 v19, v24;
	v11 =	vld [tilespmem:s6+$0x0];
	v16 =	vmul.bf16 v16, v26  }
0x199: {  	v17 =	vunpack.i.u.bf16.f32 v15;
	v18 =	vunpack.i.u.bf16.f32 v22;
	v22 =	vunpack.i.l.bf16.f32 v22;
	v12 =	vld [tilespmem:s6+$0xFFFFFFF0]  }
0x19a: {  	v24 =	vld [tilespmem:s6+$0xFFFFFFE0];
	v26 =	vunpack.i.u.bf16.f32 v16;
	v16 =	vunpack.i.l.bf16.f32 v16;
	v27 =	vmul.bf16 v28, v13;
	(xrf2) =	vadd.scan.msk.f32 $0xffff, v14  }
0x19b: {  	v29 =	vunpack.i.l.bf16.f32 v15;
	v28 =	vld [tilespmem:s10+$0xFFFFFFE0];
	v14 =	vadd.f32 v16, v26;
	v23 =	vmul.bf16 v23, v25  }
0x19c: {  	v18 =	vadd.f32 v22, v18;
	v13 =	vld [tilespmem:s6+$0xFFFFFFD0];
	v16 =	vunpack.i.u.bf16.f32 v27;
	v25 =	vunpack.i.l.bf16.f32 v27  }
.Ltmp4:
0x19d: {  	v22 =	vadd.f32 v29, v17;
	v15 =	vld [tilespmem:s10+$0xFFFFFFD0];
	v25 =	vadd.f32 v25, v16;
	v26 =	vunpack.i.u.bf16.f32 v23;
	(xrf2) =	vadd.scan.msk.f32 $0xffff, v21;
	(pc) =	sbr.rel @p1 .LBB2_12-.Ltmp4, $4  }
0x19e: {  	v21 =	vunpack.i.l.bf16.f32 v23;
	v23 =	vunpack.i.l.bf16.f32 v20;
	v16 =	vld [tilespmem:s6+$0xFFFFFFC0]  }
0x19f: {  	v20 =	vunpack.i.u.bf16.f32 v20;
	v26 =	vadd.f32 v21, v26;
	v17 =	vld [tilespmem:s10+$0xFFFFFFC0];
	v25 =	vadd.f32 v18, v25  }
0x1a0: {  	v19 =	vadd.f32 v22, v19;
	v21 =	vadd.f32 v23, v20;
	v18 =	vld [tilespmem:s6+$0xFFFFFF90]  }
0x1a1: {  	v22 =	vmul.bf16 v24, v28;
	v20 =	vld [tilespmem:s10+$0xFFFFFF90];
	v23 =	vadd.f32 v26, v25  }
0x1a2: {  	v24 =	vld [tilespmem:s6+$0xFFFFFF80]  }
0x1a3: {  	v25 =	vld [tilespmem:s8+$0xFFFFFFA0]  }
0x1a4: {  	v26 =	vld [tilespmem:s6+$0xFFFFFFA0]  }
0x1a5: {  	v27 =	vld [tilespmem:s8+$0xFFFFFFF0]  }
0x1a6: {  	v28 =	vld [tilespmem:s8+$0x0]  }
0x1a7: {  	v30 =	vld [tilespmem:s6+$0xFFFFFFB0]  }
0x1a8: {  	v42 =	vld [tilespmem:s8+$0xFFFFFFB0]  }
0x1a9: {  	v43 =	vld [tilespmem:s8+$0x10]  }
0x1aa: {  	v49 =	vld [tilespmem:s6+$0x60]  }
0x1ab: {  	v50 =	vld [tilespmem:s6+$0x50]  }
0x1ac: {  	v52 =	vld [tilespmem:s6+$0x20]  }
0x1ad: {  	v54 =	vld [tilespmem:s8+$0x20]  }
0x1ae: {  	v55 =	vld [tilespmem:s8+$0x50]  }
0x1af: {  	v14 =	vadd.f32 v14, v19;
	v13 =	vmul.bf16 v13, v15;
	v57 =	vld [tilespmem:s8+$0x30]  }
0x1b0: {  	v60 =	vld [tilespmem:s6+$0x40];
	v29 =	vunpack.i.u.bf16.f32 v22;
	v41 =	vunpack.i.l.bf16.f32 v22;
	v21 =	vadd.f32 v21, v23  }
0x1b1: {  	v62 =	vld [tilespmem:s8+$0x40];
	v16 =	vmul.bf16 v16, v17;
	v22 =	vadd.f32 v41, v29;
	v51 =	vunpack.i.l.bf16.f32 v13  }
0x1b2: {  	v63 =	vld [tilespmem:s6+$0x30];
	v13 =	vunpack.i.u.bf16.f32 v13;
	v18 =	vmul.bf16 v18, v20;
	v8 =	vmul.bf16 v24, v8  }
0x1b3: {  	v32 =	vld [tilespmem:s8+$0x60];
	v13 =	vadd.f32 v51, v13;
	v12 =	vmul.bf16 v12, v27;
	v11 =	vmul.bf16 v11, v28  }
0x1b4: {  	v48 =	vunpack.i.u.bf16.f32 v16;
	v25 =	vmul.bf16 v26, v25;
	v20 =	vmul.bf16 v30, v42  }
0x1b5: {  	v16 =	vunpack.i.l.bf16.f32 v16;
	v9 =	vmul.bf16 v9, v43;
	v33 =	vmul.bf16 v50, v55  }
0x1b6: {  	v16 =	vadd.f32 v16, v48;
	v34 =	vmul.bf16 v52, v54;
	v35 =	vmul.bf16 v60, v62  }
0x1b7: {  	v45 =	vld [tilespmem:s6+$0x70];
	v36 =	vmul.bf16 v63, v57;
	v44 =	vunpack.i.u.bf16.f32 v18;
	v18 =	vunpack.i.l.bf16.f32 v18  }
0x1b8: {  	v47 =	vld [tilespmem:s8+$0x70];
	v38 =	vmul.bf16 v49, v32;
	v46 =	vunpack.i.u.bf16.f32 v8;
	v15 =	vadd.f32 v18, v44  }
0x1b9: {  	v8 =	vunpack.i.l.bf16.f32 v8;
	v53 =	vunpack.i.u.bf16.f32 v12;
	v12 =	vunpack.i.l.bf16.f32 v12  }
0x1ba: {  	v56 =	vunpack.i.u.bf16.f32 v25;
	v25 =	vunpack.i.l.bf16.f32 v25;
	v58 =	vunpack.i.l.bf16.f32 v11  }
0x1bb: {  	v61 =	vunpack.i.u.bf16.f32 v20;
	v20 =	vunpack.i.l.bf16.f32 v20;
	v13 =	vadd.f32 v13, v16  }
0x1bc: {  	v11 =	vunpack.i.u.bf16.f32 v11;
	v31 =	vunpack.i.u.bf16.f32 v9;
	v9 =	vunpack.i.l.bf16.f32 v9  }
0x1bd: {  	v18 =	vmul.bf16 v45, v47;
	v37 =	vunpack.i.u.bf16.f32 v33;
	v17 =	vunpack.i.l.bf16.f32 v33  }
0x1be: {  	v39 =	vunpack.i.u.bf16.f32 v35;
	v8 =	vadd.f32 v8, v46;
	v12 =	vadd.f32 v12, v53  }
0x1bf: {  	v42 =	vunpack.i.u.bf16.f32 v38;
	v59 =	vadd.f32 v25, v56;
	v20 =	vadd.f32 v20, v61  }
0x1c0: {  	v19 =	vunpack.i.l.bf16.f32 v38;
	v11 =	vadd.f32 v58, v11;
	v9 =	vadd.f32 v9, v31  }
0x1c1: {  	v40 =	vunpack.i.u.bf16.f32 v34;
	v16 =	vadd.f32 v17, v37;
	v43 =	vadd.f32 v19, v42  }
0x1c2: {  	v13 =	vadd.f32 v22, v13;
	v9 =	vadd.f32 v9, v11;
	v11 =	vunpack.i.l.bf16.f32 v35  }
0x1c3: {  	v44 =	vunpack.i.l.bf16.f32 v18;
	v18 =	vunpack.i.u.bf16.f32 v18;
	v11 =	vadd.f32 v11, v39  }
0x1c4: {  	v41 =	vunpack.i.u.bf16.f32 v36;
	v8 =	vadd.f32 v15, v8;
	v18 =	vadd.f32 v44, v18  }
0x1c5: {  	v12 =	vadd.f32 v12, v13;
	v13 =	vunpack.i.l.bf16.f32 v34;
	v11 =	vadd.f32 v16, v11  }
0x1c6: {  	v15 =	vunpack.i.l.bf16.f32 v36;
	v8 =	vadd.f32 v59, v8;
	v13 =	vadd.f32 v13, v40  }
0x1c7: {  	(xrf2) =	vadd.scan.msk.f32 $0xffff, v21;
	v45 =	vadd.f32 v15, v41;
	v11 =	vadd.f32 v43, v11  }
0x1c8: {  	(xrf2) =	vadd.scan.msk.f32 $0xffff, v14;
	v8 =	vadd.f32 v20, v8;
	v9 =	vadd.f32 v13, v9  }
0x1c9: {  	(xrf2) =	vadd.scan.msk.f32 $0xffff, v12;
	v11 =	vadd.f32 v18, v11  }
0x1ca: {  	(xrf2) =	vadd.scan.msk.f32 $0xffff, v8;
	v46 =	vadd.f32 v45, v9  }
0x1cb: {  	(xrf2) =	vadd.scan.msk.f32 $0xffff, v11  }
0x1cc: {  	(xrf2) =	vadd.scan.msk.f32 $0xffff, v46;
	_ =	sdelay $0x2  }
0x1cd: {  	v47, _, _ =	vpop (xrf2)  }
0x1ce: {  	v48, _, _ =	vpop (xrf2)  }
0x1cf: {  	v50 =	vmov s7;
	v49, _, _ =	vpop (xrf2);
	v9 =	vbroadcast v48, $0xF  }
0x1d0: {  	vm0 =	veq.s32 v4, v0;
	vm1 =	veq.s32 v50, v0;
	v52 =	vbroadcast v47, $0xF;
	v51, _, _ =	vpop (xrf2)  }
0x1d1: {  	vm2 =	veq.s32 v5, v0;
	v55 =	vbroadcast v51, $0xF;
	v54 =	vsel vm1, v9, v6;
	v53, _, _ =	vpop (xrf2)  }
0x1d2: {  	vm11 =	veq.s32 v3, v0;
	v57 =	vbroadcast v49, $0xF;
	v3 =	vsel vm2, v52, v54;
	v56, _, _ =	vpop (xrf2)  }
0x1d3: {  	v58 =	vmov s29;
	s29 =	sshll.u32 s25, $0x4;
	s25 =	sadd.s32 $0x1, s25;
	v3 =	vsel vm0, v55, v3;
	v59 =	vbroadcast v56, $0xF;
	v60, _, _ =	vpop (xrf2)  }
0x1d4: {  	vm12 =	veq.s32 v58, v0;
	p1 =	sne.s32 s25, $0x5;
	v3 =	vsel vm11, v57, v3;
	v61 =	vbroadcast v53, $0xF;
	v62, _, _ =	vpop (xrf2)  }
.Ltmp5:
0x1d5: {  	vm13 =	veq.s32 v2, v0;
	v2 =	vsel vm12, v59, v3;
	v3 =	vbroadcast v62, $0xF;
	(pc) =	sbr.rel @p1 .LBB2_11-.Ltmp5, $4  }
0x1d6: {  	vm14 =	veq.s32 v7, v0;
	v2 =	vsel vm13, v61, v2;
	v63 =	vbroadcast v60, $0xF  }
0x1d7: {  	vm15 =	veq.s32 v10, v0;
	v2 =	vsel vm14, v3, v2  }
0x1d8: {  	s6 =	sand.u32 $0x3FFFFFF0, s29;
	v2 =	vsel vm15, v63, v2  }
0x1d9: {  	s26 =	sadd.s32 $0x400, s26;
	s28 =	sadd.s32 $0x400, s28;
	[tilespmem:v1+s6+$0x0 ss:$0x1] =	vst.idx.msk $0xffff, v2  }
0x1da: {  	s6 =	sadd.s32 @!p0 $0x230, s21;
	s7 =	simm.s32 @!p0 $0x50;
	s8 =	simm.s32 @!p0 $0x7620  }
0x1db: {  	[tilespmem:s8], [sflag:$0x3] =	stream.indirect.gather @!p0 [hbm4b:s5+s7], $0x40, s6, s7, $0xb8;
	[tilespmem:$0x11940] =	vst v63  }
0x1dc: {  	s6 =	sadd.s32 @!p0 $0x2940, s21;
	s8 =	simm.s32 @!p0 $0xDA20  }
0x1dd: {  	[tilespmem:s8], [sflag:$0x8] =	stream.indirect.gather @!p0 [hbm4b:s5+s7], $0x40, s6, s7, $0xb8;
	[tilespmem:$0x11940] =	vst v63  }
0x1de: {  	_ =	swait.ge [sflag:s14], $0x1400  }
0x1df: {  	[sflag:s14] =	ssyncset.done $0x0  }
0x1e0: {  	[sflag:s14] =	ssyncadd.s32 $0xFFFFEC00  }
0x1e1: {  	_ =	swait.ge [sflag:s15], $0x1400  }
0x1e2: {  	s29 =	sadd.s32 $0x11710, s24;
	s25 =	simm.s32 $0x0;
	[sflag:s15] =	ssyncset.done $0x0  }
0x1e3: {  	s26 =	simm.s32 $0xEEA0;
	s28 =	simm.s32 $0x8AA0;
	v1 =	vmov s29;
	[sflag:s15] =	ssyncadd.s32 $0xFFFFEC00  }
.LBB2_15:
0x1e4: {  	v7 =	vld [tilespmem:s28+$0xFFFFFF80]  }
0x1e5: {  	v10 =	vld [tilespmem:s26+$0x0]  }
0x1e6: {  	v11 =	vld [tilespmem:s26+$0xFFFFFFF0]  }
0x1e7: {  	v2 =	vld [tilespmem:s26+$0xFFFFFFE0]  }
0x1e8: {  	v3 =	vld [tilespmem:s28+$0xFFFFFFE0]  }
0x1e9: {  	v12 =	vld [tilespmem:s26+$0xFFFFFFD0]  }
0x1ea: {  	v13 =	vld [tilespmem:s28+$0xFFFFFFD0]  }
0x1eb: {  	v14 =	vld [tilespmem:s26+$0xFFFFFFC0]  }
0x1ec: {  	v15 =	vld [tilespmem:s28+$0xFFFFFFC0]  }
0x1ed: {  	v16 =	vld [tilespmem:s26+$0xFFFFFF90]  }
0x1ee: {  	v17 =	vld [tilespmem:s28+$0xFFFFFF90]  }
0x1ef: {  	v18 =	vld [tilespmem:s26+$0xFFFFFF80]  }
0x1f0: {  	v19 =	vld [tilespmem:s28+$0xFFFFFFA0]  }
0x1f1: {  	v20 =	vld [tilespmem:s26+$0xFFFFFFA0]  }
0x1f2: {  	v21 =	vld [tilespmem:s28+$0xFFFFFFF0]  }
0x1f3: {  	v22 =	vld [tilespmem:s28+$0x0]  }
0x1f4: {  	v9 =	vld [tilespmem:s26+$0x10];
	s6 =	simm.s32 $0x1;
	v6 =	vimm.f32 $0.0e+00  }
0x1f5: {  	s7 =	simm.s32 $0x2;
	v25 =	vld [tilespmem:s26+$0xFFFFFFB0];
	v5 =	vmov s6;
	v2 =	vmul.bf16 v2, v3;
	v14 =	vmul.bf16 v14, v15  }
0x1f6: {  	s8 =	simm.s32 $0x3;
	v56 =	vld [tilespmem:s26+$0x70];
	v4 =	vmov s7;
	v15 =	vmul.bf16 v16, v17;
	v12 =	vmul.bf16 v12, v13  }
0x1f7: {  	v27 =	vld [tilespmem:s28+$0x70];
	v3 =	vmov s8;
	v7 =	vmul.bf16 v18, v7;
	v11 =	vmul.bf16 v11, v21  }
0x1f8: {  	s9 =	simm.s32 $0x5;
	v59 =	vld [tilespmem:s26+$0x30];
	v10 =	vmul.bf16 v10, v22;
	v19 =	vmul.bf16 v20, v19;
	v23 =	vunpack.i.u.bf16.f32 v2  }
0x1f9: {  	s10 =	sadd.s32 $0x100, s28;
	v60 =	vld [tilespmem:s26+$0x40];
	v24 =	vunpack.i.l.bf16.f32 v2;
	v2 =	vmov s9;
	v18 =	vunpack.i.u.bf16.f32 v14  }
0x1fa: {  	v8 =	vld [tilespmem:s10+$0xFFFFFF80];
	v14 =	vunpack.i.l.bf16.f32 v14;
	v26 =	vunpack.i.u.bf16.f32 v7;
	v7 =	vunpack.i.l.bf16.f32 v7  }
0x1fb: {  	v16 =	vld [tilespmem:s28+$0xFFFFFFB0];
	v13 =	vadd.f32 v24, v23;
	v23 =	vunpack.i.u.bf16.f32 v15;
	v15 =	vunpack.i.l.bf16.f32 v15  }
0x1fc: {  	v17 =	vld [tilespmem:s28+$0x10];
	v57 =	vunpack.i.l.bf16.f32 v10;
	v7 =	vadd.f32 v7, v26;
	v15 =	vadd.f32 v15, v23  }
0x1fd: {  	v22 =	vld [tilespmem:s26+$0x50];
	v58 =	vunpack.i.u.bf16.f32 v19;
	v19 =	vunpack.i.l.bf16.f32 v19;
	v10 =	vunpack.i.u.bf16.f32 v10  }
0x1fe: {  	v20 =	vld [tilespmem:s28+$0x20];
	v14 =	vadd.f32 v14, v18;
	v18 =	vunpack.i.l.bf16.f32 v12;
	v15 =	vadd.f32 v15, v7  }
0x1ff: {  	v23 =	vld [tilespmem:s26+$0x20];
	v7 =	vunpack.i.u.bf16.f32 v12;
	v12 =	vunpack.i.u.bf16.f32 v11;
	v11 =	vunpack.i.l.bf16.f32 v11  }
0x200: {  	v24 =	vmul.bf16 v56, v27;
	v16 =	vmul.bf16 v25, v16;
	v12 =	vadd.f32 v11, v12;
	v11 =	vld [tilespmem:s28+$0x50]  }
0x201: {  	v19 =	vadd.f32 v19, v58;
	v9 =	vmul.bf16 v9, v17;
	v17 =	vadd.f32 v18, v7;
	v18 =	vld [tilespmem:s28+$0x30]  }
0x202: {  	v21 =	vld [tilespmem:s26+$0x60];
	v10 =	vadd.f32 v57, v10;
	v7 =	vunpack.i.u.bf16.f32 v16;
	v16 =	vunpack.i.l.bf16.f32 v16  }
0x203: {  	s11 =	simm.s32 $0x6;
	v61 =	vunpack.i.u.bf16.f32 v9;
	v9 =	vunpack.i.l.bf16.f32 v9;
	v14 =	vadd.f32 v17, v14;
	v17 =	vld [tilespmem:s28+$0x40]  }
0x204: {  	s6 =	sadd.s32 $0x100, s26;
	v16 =	vadd.f32 v16, v7;
	v7 =	vmov s11;
	v15 =	vadd.f32 v19, v15;
	v19 =	vld [tilespmem:s28+$0x60]  }
0x205: {  	v62 =	vld [tilespmem:s6+$0xFFFFFFE0];
	v20 =	vmul.bf16 v23, v20;
	v13 =	vadd.f32 v13, v14;
	v14 =	vadd.f32 v9, v61  }
0x206: {  	v23 =	vadd.f32 v16, v15;
	v9 =	vld [tilespmem:s6+$0x10];
	v22 =	vmul.bf16 v22, v11;
	v15 =	vmul.bf16 v59, v18  }
0x207: {  	v11 =	vld [tilespmem:s6+$0x0];
	v18 =	vadd.f32 v12, v13;
	v25 =	vadd.f32 v14, v10;
	v10 =	vunpack.i.u.bf16.f32 v20  }
0x208: {  	v12 =	vld [tilespmem:s6+$0xFFFFFFF0];
	v13 =	vunpack.i.u.bf16.f32 v15;
	v14 =	vunpack.i.l.bf16.f32 v15;
	v15 =	vmul.bf16 v60, v17  }
0x209: {  	v19 =	vmul.bf16 v21, v19;
	v16 =	vunpack.i.u.bf16.f32 v22;
	v17 =	vunpack.i.l.bf16.f32 v22;
	v22 =	vld [tilespmem:s10+$0xFFFFFFE0];
	(xrf2) =	vadd.scan.msk.f32 $0xffff, v18  }
0x20a: {  	v14 =	vadd.f32 v14, v13;
	v13 =	vld [tilespmem:s6+$0xFFFFFFD0];
	v21 =	vunpack.i.u.bf16.f32 v15;
	v26 =	vunpack.i.l.bf16.f32 v15  }
0x20b: {  	v20 =	vunpack.i.l.bf16.f32 v20;
	v17 =	vadd.f32 v17, v16;
	v16 =	vld [tilespmem:s6+$0xFFFFFFC0];
	v21 =	vadd.f32 v26, v21  }
0x20c: {  	s18 =	simm.s32 $0x7;
	v20 =	vadd.f32 v20, v10;
	v63 =	vunpack.i.u.bf16.f32 v19;
	v19 =	vunpack.i.l.bf16.f32 v19;
	v18 =	vld [tilespmem:s6+$0xFFFFFF90];
	(xrf2) =	vadd.scan.msk.f32 $0xffff, v23  }
0x20d: {  	v10 =	vmov s18;
	v15 =	vld [tilespmem:s10+$0xFFFFFFD0];
	v26 =	vadd.f32 v19, v63;
	v28 =	vadd.f32 v17, v21  }
0x20e: {  	s29 =	simm.s32 $0x4;
	v19 =	vadd.f32 v20, v25;
	v17 =	vld [tilespmem:s10+$0xFFFFFFC0];
	v21 =	vunpack.i.l.bf16.f32 v24;
	v24 =	vunpack.i.u.bf16.f32 v24  }
0x20f: {  	s7 =	simm.s32 $0x0;
	s8 =	smov.u32 s10;
	s9 =	simm.s32 $0x8;
	v20 =	vld [tilespmem:s10+$0xFFFFFF90];
	v22 =	vmul.bf16 v62, v22;
	v21 =	vadd.f32 v21, v24;
	v23 =	vadd.f32 v26, v28  }
.LBB2_16:
0x210: {  	p1 =	slt.u32 s9, $0xC  }
0x211: {  	v24 =	vld [tilespmem:s6+$0xFFFFFF80];
	s10 =	sadd.s32 $0x100, s10;
	vm1 =	veq.s32 v4, v0;
	vm0 =	veq.s32 v3, v0;
	v4 =	vmovc v7;
	v3 =	vmov v10;
	s11 =	smov.u32 s9;
	s9 =	sadd.s32 $0x4, s9  }
0x212: {  	v7 =	vld [tilespmem:s10+$0xFFFFFF80];
	s18 =	sadd.s32 $0x1, s11;
	v10 =	vunpack.i.u.bf16.f32 v22;
	v22 =	vunpack.i.l.bf16.f32 v22;
	v21 =	vadd.f32 v21, v23  }
0x213: {  	v14 =	vadd.f32 v14, v19;
	v23 =	vmov s18;
	v25 =	vld [tilespmem:s8+$0xFFFFFFA0];
	v16 =	vmul.bf16 v16, v17;
	v17, _, _ =	vpop (xrf2)  }
0x214: {  	v13 =	vmul.bf16 v13, v15;
	vm2 =	veq.s32 v5, v0;
	v10 =	vadd.f32 v22, v10;
	v19 =	vld [tilespmem:s6+$0xFFFFFFA0];
	(xrf2) =	vadd.scan.msk.f32 $0xffff, v21  }
0x215: {  	v5 =	vmovc v2;
	v21 =	vmov s7;
	v2 =	vmovc v23;
	s7 =	smov.u32 s29;
	s29 =	smov.u32 s11;
	v15 =	vmul.bf16 v18, v20;
	v18 =	vunpack.i.u.bf16.f32 v16;
	v20 =	vld [tilespmem:s8+$0xFFFFFFF0]  }
0x216: {  	v17 =	vbroadcast v17, $0xF;
	v16 =	vunpack.i.l.bf16.f32 v16;
	v22 =	vmul.bf16 v24, v8;
	v23 =	vld [tilespmem:s8+$0x0];
	v8, _, _ =	vpop (xrf2)  }
0x217: {  	v24 =	vunpack.i.u.bf16.f32 v15;
	v15 =	vunpack.i.l.bf16.f32 v15;
	v26 =	vld [tilespmem:s6+$0xFFFFFFB0];
	v27 =	vbroadcast v8, $0xF;
	(xrf2) =	vadd.scan.msk.f32 $0xffff, v14;
	v8 =	vmovc v7  }
0x218: {  	vm3 =	veq.s32 v21, v0;
	v7 =	vunpack.i.u.bf16.f32 v22;
	v14 =	vadd.f32 v15, v24;
	v15 =	vld [tilespmem:s8+$0xFFFFFFB0]  }
0x219: {  	v16 =	vadd.f32 v16, v18;
	v21 =	vunpack.i.l.bf16.f32 v22;
	v18 =	vld [tilespmem:s8+$0x10];
	v6 =	vsel vm3, v27, v6  }
0x21a: {  	s11 =	sadd.s32 $0x2, s29;
	v21 =	vadd.f32 v21, v7;
	v12 =	vmul.bf16 v12, v20;
	v20 =	vld [tilespmem:s6+$0x70];
	v6 =	vsel vm2, v17, v6  }
0x21b: {  	v7 =	vmov s11;
	v17 =	vunpack.i.l.bf16.f32 v13;
	v11 =	vmul.bf16 v11, v23;
	v22 =	vld [tilespmem:s8+$0x70]  }
0x21c: {  	v13 =	vunpack.i.u.bf16.f32 v13;
	v14 =	vadd.f32 v14, v21;
	v27 =	vunpack.i.u.bf16.f32 v12;
	v23 =	vld [tilespmem:s6+$0x60]  }
0x21d: {  	v19 =	vmul.bf16 v19, v25;
	v12 =	vunpack.i.l.bf16.f32 v12;
	v24 =	vunpack.i.l.bf16.f32 v11;
	v25 =	vld [tilespmem:s6+$0x50]  }
0x21e: {  	v15 =	vmul.bf16 v26, v15;
	v12 =	vadd.f32 v12, v27;
	v9 =	vmul.bf16 v9, v18;
	v18 =	vld [tilespmem:s6+$0x20];
	v21, _, _ =	vpop (xrf2)  }
0x21f: {  	v13 =	vadd.f32 v17, v13;
	v11 =	vunpack.i.u.bf16.f32 v11;
	v17 =	vld [tilespmem:s8+$0x20];
	v21 =	vbroadcast v21, $0xF  }
0x220: {  	v26 =	vunpack.i.u.bf16.f32 v15;
	v15 =	vunpack.i.l.bf16.f32 v15;
	v27 =	vld [tilespmem:s8+$0x50];
	v20 =	vmul.bf16 v20, v22  }
0x221: {  	v22 =	vunpack.i.u.bf16.f32 v19;
	v19 =	vunpack.i.l.bf16.f32 v19;
	v15 =	vadd.f32 v15, v26;
	v26 =	vld [tilespmem:s8+$0x30];
	v28, _, _ =	vpop (xrf2)  }
0x222: {  	v13 =	vadd.f32 v13, v16;
	v19 =	vadd.f32 v19, v22;
	v16 =	vld [tilespmem:s6+$0x30];
	v22 =	vbroadcast v28, $0xF  }
0x223: {  	v24 =	vadd.f32 v24, v11;
	v11 =	vunpack.i.u.bf16.f32 v9;
	v9 =	vunpack.i.l.bf16.f32 v9;
	v28 =	vld [tilespmem:s6+$0x40]  }
0x224: {  	v10 =	vadd.f32 v10, v13;
	v14 =	vadd.f32 v19, v14;
	v13 =	vld [tilespmem:s8+$0x40];
	v6 =	vsel vm1, v22, v6  }
0x225: {  	v19 =	vadd.f32 v9, v11;
	s6 =	sadd.s32 $0x100, s6;
	v22 =	vmul.bf16 v25, v27;
	v25 =	vld [tilespmem:s8+$0x60];
	v6 =	vsel vm0, v21, v6;
	s8 =	smov.u32 s10  }
0x226: {  	s11 =	sadd.s32 $0x3, s29;
	v21 =	vadd.f32 v15, v14;
	v14 =	vadd.f32 v12, v10;
	v15 =	vmul.bf16 v18, v17;
	v9 =	vld [tilespmem:s6+$0x10]  }
0x227: {  	v10 =	vmov s11;
	v19 =	vadd.f32 v19, v24;
	v11 =	vld [tilespmem:s6+$0x0];
	v16 =	vmul.bf16 v16, v26  }
0x228: {  	v17 =	vunpack.i.u.bf16.f32 v15;
	v18 =	vunpack.i.u.bf16.f32 v22;
	v22 =	vunpack.i.l.bf16.f32 v22;
	v12 =	vld [tilespmem:s6+$0xFFFFFFF0]  }
0x229: {  	v24 =	vld [tilespmem:s6+$0xFFFFFFE0];
	v26 =	vunpack.i.u.bf16.f32 v16;
	v16 =	vunpack.i.l.bf16.f32 v16;
	v27 =	vmul.bf16 v28, v13;
	(xrf2) =	vadd.scan.msk.f32 $0xffff, v14  }
0x22a: {  	v29 =	vunpack.i.l.bf16.f32 v15;
	v28 =	vld [tilespmem:s10+$0xFFFFFFE0];
	v14 =	vadd.f32 v16, v26;
	v23 =	vmul.bf16 v23, v25  }
0x22b: {  	v18 =	vadd.f32 v22, v18;
	v13 =	vld [tilespmem:s6+$0xFFFFFFD0];
	v16 =	vunpack.i.u.bf16.f32 v27;
	v25 =	vunpack.i.l.bf16.f32 v27  }
.Ltmp6:
0x22c: {  	v22 =	vadd.f32 v29, v17;
	v15 =	vld [tilespmem:s10+$0xFFFFFFD0];
	v25 =	vadd.f32 v25, v16;
	v26 =	vunpack.i.u.bf16.f32 v23;
	(xrf2) =	vadd.scan.msk.f32 $0xffff, v21;
	(pc) =	sbr.rel @p1 .LBB2_16-.Ltmp6, $4  }
0x22d: {  	v21 =	vunpack.i.l.bf16.f32 v23;
	v23 =	vunpack.i.l.bf16.f32 v20;
	v16 =	vld [tilespmem:s6+$0xFFFFFFC0]  }
0x22e: {  	v20 =	vunpack.i.u.bf16.f32 v20;
	v26 =	vadd.f32 v21, v26;
	v17 =	vld [tilespmem:s10+$0xFFFFFFC0];
	v25 =	vadd.f32 v18, v25  }
0x22f: {  	v19 =	vadd.f32 v22, v19;
	v21 =	vadd.f32 v23, v20;
	v18 =	vld [tilespmem:s6+$0xFFFFFF90]  }
0x230: {  	v22 =	vmul.bf16 v24, v28;
	v20 =	vld [tilespmem:s10+$0xFFFFFF90];
	v23 =	vadd.f32 v26, v25  }
0x231: {  	v24 =	vld [tilespmem:s6+$0xFFFFFF80]  }
0x232: {  	v25 =	vld [tilespmem:s8+$0xFFFFFFA0]  }
0x233: {  	v26 =	vld [tilespmem:s6+$0xFFFFFFA0]  }
0x234: {  	v27 =	vld [tilespmem:s8+$0xFFFFFFF0]  }
0x235: {  	v28 =	vld [tilespmem:s8+$0x0]  }
0x236: {  	v30 =	vld [tilespmem:s6+$0xFFFFFFB0]  }
0x237: {  	v42 =	vld [tilespmem:s8+$0xFFFFFFB0]  }
0x238: {  	v43 =	vld [tilespmem:s8+$0x10]  }
0x239: {  	v49 =	vld [tilespmem:s6+$0x60]  }
0x23a: {  	v50 =	vld [tilespmem:s6+$0x50]  }
0x23b: {  	v52 =	vld [tilespmem:s6+$0x20]  }
0x23c: {  	v54 =	vld [tilespmem:s8+$0x20]  }
0x23d: {  	v55 =	vld [tilespmem:s8+$0x50]  }
0x23e: {  	v14 =	vadd.f32 v14, v19;
	v13 =	vmul.bf16 v13, v15;
	v57 =	vld [tilespmem:s8+$0x30]  }
0x23f: {  	v60 =	vld [tilespmem:s6+$0x40];
	v29 =	vunpack.i.u.bf16.f32 v22;
	v41 =	vunpack.i.l.bf16.f32 v22;
	v21 =	vadd.f32 v21, v23  }
0x240: {  	v62 =	vld [tilespmem:s8+$0x40];
	v16 =	vmul.bf16 v16, v17;
	v22 =	vadd.f32 v41, v29;
	v51 =	vunpack.i.l.bf16.f32 v13  }
0x241: {  	v63 =	vld [tilespmem:s6+$0x30];
	v13 =	vunpack.i.u.bf16.f32 v13;
	v18 =	vmul.bf16 v18, v20;
	v8 =	vmul.bf16 v24, v8  }
0x242: {  	v32 =	vld [tilespmem:s8+$0x60];
	v13 =	vadd.f32 v51, v13;
	v12 =	vmul.bf16 v12, v27;
	v11 =	vmul.bf16 v11, v28  }
0x243: {  	v48 =	vunpack.i.u.bf16.f32 v16;
	v25 =	vmul.bf16 v26, v25;
	v20 =	vmul.bf16 v30, v42  }
0x244: {  	v16 =	vunpack.i.l.bf16.f32 v16;
	v9 =	vmul.bf16 v9, v43;
	v33 =	vmul.bf16 v50, v55  }
0x245: {  	v16 =	vadd.f32 v16, v48;
	v34 =	vmul.bf16 v52, v54;
	v35 =	vmul.bf16 v60, v62  }
0x246: {  	v45 =	vld [tilespmem:s6+$0x70];
	v36 =	vmul.bf16 v63, v57;
	v44 =	vunpack.i.u.bf16.f32 v18;
	v18 =	vunpack.i.l.bf16.f32 v18  }
0x247: {  	v47 =	vld [tilespmem:s8+$0x70];
	v38 =	vmul.bf16 v49, v32;
	v46 =	vunpack.i.u.bf16.f32 v8;
	v15 =	vadd.f32 v18, v44  }
0x248: {  	v8 =	vunpack.i.l.bf16.f32 v8;
	v53 =	vunpack.i.u.bf16.f32 v12;
	v12 =	vunpack.i.l.bf16.f32 v12  }
0x249: {  	v56 =	vunpack.i.u.bf16.f32 v25;
	v25 =	vunpack.i.l.bf16.f32 v25;
	v58 =	vunpack.i.l.bf16.f32 v11  }
0x24a: {  	v61 =	vunpack.i.u.bf16.f32 v20;
	v20 =	vunpack.i.l.bf16.f32 v20;
	v13 =	vadd.f32 v13, v16  }
0x24b: {  	v11 =	vunpack.i.u.bf16.f32 v11;
	v31 =	vunpack.i.u.bf16.f32 v9;
	v9 =	vunpack.i.l.bf16.f32 v9  }
0x24c: {  	v18 =	vmul.bf16 v45, v47;
	v37 =	vunpack.i.u.bf16.f32 v33;
	v17 =	vunpack.i.l.bf16.f32 v33  }
0x24d: {  	v39 =	vunpack.i.u.bf16.f32 v35;
	v8 =	vadd.f32 v8, v46;
	v12 =	vadd.f32 v12, v53  }
0x24e: {  	v42 =	vunpack.i.u.bf16.f32 v38;
	v59 =	vadd.f32 v25, v56;
	v20 =	vadd.f32 v20, v61  }
0x24f: {  	v19 =	vunpack.i.l.bf16.f32 v38;
	v11 =	vadd.f32 v58, v11;
	v9 =	vadd.f32 v9, v31  }
0x250: {  	v40 =	vunpack.i.u.bf16.f32 v34;
	v16 =	vadd.f32 v17, v37;
	v43 =	vadd.f32 v19, v42  }
0x251: {  	v13 =	vadd.f32 v22, v13;
	v9 =	vadd.f32 v9, v11;
	v11 =	vunpack.i.l.bf16.f32 v35  }
0x252: {  	v44 =	vunpack.i.l.bf16.f32 v18;
	v18 =	vunpack.i.u.bf16.f32 v18;
	v11 =	vadd.f32 v11, v39  }
0x253: {  	v41 =	vunpack.i.u.bf16.f32 v36;
	v8 =	vadd.f32 v15, v8;
	v18 =	vadd.f32 v44, v18  }
0x254: {  	v12 =	vadd.f32 v12, v13;
	v13 =	vunpack.i.l.bf16.f32 v34;
	v11 =	vadd.f32 v16, v11  }
0x255: {  	v15 =	vunpack.i.l.bf16.f32 v36;
	v8 =	vadd.f32 v59, v8;
	v13 =	vadd.f32 v13, v40  }
0x256: {  	(xrf2) =	vadd.scan.msk.f32 $0xffff, v21;
	v45 =	vadd.f32 v15, v41;
	v11 =	vadd.f32 v43, v11  }
0x257: {  	(xrf2) =	vadd.scan.msk.f32 $0xffff, v14;
	v8 =	vadd.f32 v20, v8;
	v9 =	vadd.f32 v13, v9  }
0x258: {  	(xrf2) =	vadd.scan.msk.f32 $0xffff, v12;
	v11 =	vadd.f32 v18, v11  }
0x259: {  	(xrf2) =	vadd.scan.msk.f32 $0xffff, v8;
	v46 =	vadd.f32 v45, v9  }
0x25a: {  	(xrf2) =	vadd.scan.msk.f32 $0xffff, v11  }
0x25b: {  	(xrf2) =	vadd.scan.msk.f32 $0xffff, v46;
	_ =	sdelay $0x2  }
0x25c: {  	v47, _, _ =	vpop (xrf2)  }
0x25d: {  	v48, _, _ =	vpop (xrf2)  }
0x25e: {  	v50 =	vmov s7;
	v49, _, _ =	vpop (xrf2);
	v9 =	vbroadcast v48, $0xF  }
0x25f: {  	vm0 =	veq.s32 v4, v0;
	vm1 =	veq.s32 v50, v0;
	v52 =	vbroadcast v47, $0xF;
	v51, _, _ =	vpop (xrf2)  }
0x260: {  	vm2 =	veq.s32 v5, v0;
	v55 =	vbroadcast v51, $0xF;
	v54 =	vsel vm1, v9, v6;
	v53, _, _ =	vpop (xrf2)  }
0x261: {  	vm11 =	veq.s32 v3, v0;
	v57 =	vbroadcast v49, $0xF;
	v3 =	vsel vm2, v52, v54;
	v56, _, _ =	vpop (xrf2)  }
0x262: {  	v58 =	vmov s29;
	s29 =	sshll.u32 s25, $0x4;
	s25 =	sadd.s32 $0x1, s25;
	v3 =	vsel vm0, v55, v3;
	v59 =	vbroadcast v56, $0xF;
	v60, _, _ =	vpop (xrf2)  }
0x263: {  	vm12 =	veq.s32 v58, v0;
	p1 =	sne.s32 s25, $0x5;
	v3 =	vsel vm11, v57, v3;
	v61 =	vbroadcast v53, $0xF;
	v62, _, _ =	vpop (xrf2)  }
.Ltmp7:
0x264: {  	vm13 =	veq.s32 v2, v0;
	v2 =	vsel vm12, v59, v3;
	v3 =	vbroadcast v62, $0xF;
	(pc) =	sbr.rel @p1 .LBB2_15-.Ltmp7, $4  }
0x265: {  	vm14 =	veq.s32 v7, v0;
	v2 =	vsel vm13, v61, v2;
	v63 =	vbroadcast v60, $0xF  }
0x266: {  	vm15 =	veq.s32 v10, v0;
	v2 =	vsel vm14, v3, v2  }
0x267: {  	s6 =	sand.u32 $0x3FFFFFF0, s29;
	v2 =	vsel vm15, v63, v2  }
0x268: {  	s26 =	sadd.s32 $0x400, s26;
	s28 =	sadd.s32 $0x400, s28;
	[tilespmem:v1+s6+$0x0 ss:$0x1] =	vst.idx.msk $0xffff, v2  }
0x269: {  	s6 =	sadd.s32 @!p0 $0x280, s21;
	s7 =	simm.s32 @!p0 $0x50;
	s8 =	simm.s32 @!p0 $0x8A20  }
0x26a: {  	[tilespmem:s8], [sflag:$0x4] =	stream.indirect.gather @!p0 [hbm4b:s5+s7], $0x40, s6, s7, $0xb8;
	[tilespmem:$0x11940] =	vst v63  }
0x26b: {  	s6 =	sadd.s32 @!p0 $0x2990, s21;
	s8 =	simm.s32 @!p0 $0xEE20  }
0x26c: {  	[tilespmem:s8], [sflag:$0x9] =	stream.indirect.gather @!p0 [hbm4b:s5+s7], $0x40, s6, s7, $0xb8;
	[tilespmem:$0x11940] =	vst v63  }
0x26d: {  	_ =	swait.ge [sflag:s16], $0x1400  }
0x26e: {  	[sflag:s16] =	ssyncset.done $0x0  }
0x26f: {  	[sflag:s16] =	ssyncadd.s32 $0xFFFFEC00  }
0x270: {  	_ =	swait.ge [sflag:s17], $0x1400  }
0x271: {  	s29 =	sadd.s32 $0x11760, s24;
	s24 =	simm.s32 $0x0;
	[sflag:s17] =	ssyncset.done $0x0  }
0x272: {  	s25 =	simm.s32 $0x102A0;
	s26 =	simm.s32 $0x9EA0;
	v1 =	vmov s29;
	[sflag:s17] =	ssyncadd.s32 $0xFFFFEC00  }
.LBB2_19:
0x273: {  	v7 =	vld [tilespmem:s26+$0xFFFFFF80]  }
0x274: {  	v10 =	vld [tilespmem:s25+$0x0]  }
0x275: {  	v11 =	vld [tilespmem:s25+$0xFFFFFFF0]  }
0x276: {  	v2 =	vld [tilespmem:s25+$0xFFFFFFE0]  }
0x277: {  	v3 =	vld [tilespmem:s26+$0xFFFFFFE0]  }
0x278: {  	v12 =	vld [tilespmem:s25+$0xFFFFFFD0]  }
0x279: {  	v13 =	vld [tilespmem:s26+$0xFFFFFFD0]  }
0x27a: {  	v14 =	vld [tilespmem:s25+$0xFFFFFFC0]  }
0x27b: {  	v15 =	vld [tilespmem:s26+$0xFFFFFFC0]  }
0x27c: {  	v16 =	vld [tilespmem:s25+$0xFFFFFF90]  }
0x27d: {  	v17 =	vld [tilespmem:s26+$0xFFFFFF90]  }
0x27e: {  	v18 =	vld [tilespmem:s25+$0xFFFFFF80]  }
0x27f: {  	v19 =	vld [tilespmem:s26+$0xFFFFFFA0]  }
0x280: {  	v20 =	vld [tilespmem:s25+$0xFFFFFFA0]  }
0x281: {  	v21 =	vld [tilespmem:s26+$0xFFFFFFF0]  }
0x282: {  	v22 =	vld [tilespmem:s26+$0x0]  }
0x283: {  	v9 =	vld [tilespmem:s25+$0x10];
	s6 =	simm.s32 $0x1;
	v6 =	vimm.f32 $0.0e+00  }
0x284: {  	s7 =	simm.s32 $0x2;
	v25 =	vld [tilespmem:s25+$0xFFFFFFB0];
	v5 =	vmov s6;
	v2 =	vmul.bf16 v2, v3;
	v14 =	vmul.bf16 v14, v15  }
0x285: {  	s9 =	simm.s32 $0x3;
	v56 =	vld [tilespmem:s25+$0x70];
	v4 =	vmov s7;
	v15 =	vmul.bf16 v16, v17;
	v12 =	vmul.bf16 v12, v13  }
0x286: {  	v27 =	vld [tilespmem:s26+$0x70];
	v3 =	vmov s9;
	v7 =	vmul.bf16 v18, v7;
	v11 =	vmul.bf16 v11, v21  }
0x287: {  	s11 =	simm.s32 $0x5;
	v59 =	vld [tilespmem:s25+$0x30];
	v10 =	vmul.bf16 v10, v22;
	v19 =	vmul.bf16 v20, v19;
	v23 =	vunpack.i.u.bf16.f32 v2  }
0x288: {  	s10 =	sadd.s32 $0x100, s26;
	v60 =	vld [tilespmem:s25+$0x40];
	v24 =	vunpack.i.l.bf16.f32 v2;
	v2 =	vmov s11;
	v18 =	vunpack.i.u.bf16.f32 v14  }
0x289: {  	v8 =	vld [tilespmem:s10+$0xFFFFFF80];
	v14 =	vunpack.i.l.bf16.f32 v14;
	v26 =	vunpack.i.u.bf16.f32 v7;
	v7 =	vunpack.i.l.bf16.f32 v7  }
0x28a: {  	v16 =	vld [tilespmem:s26+$0xFFFFFFB0];
	v13 =	vadd.f32 v24, v23;
	v23 =	vunpack.i.u.bf16.f32 v15;
	v15 =	vunpack.i.l.bf16.f32 v15  }
0x28b: {  	v17 =	vld [tilespmem:s26+$0x10];
	v57 =	vunpack.i.l.bf16.f32 v10;
	v7 =	vadd.f32 v7, v26;
	v15 =	vadd.f32 v15, v23  }
0x28c: {  	v22 =	vld [tilespmem:s25+$0x50];
	v58 =	vunpack.i.u.bf16.f32 v19;
	v19 =	vunpack.i.l.bf16.f32 v19;
	v10 =	vunpack.i.u.bf16.f32 v10  }
0x28d: {  	v20 =	vld [tilespmem:s26+$0x20];
	v14 =	vadd.f32 v14, v18;
	v18 =	vunpack.i.l.bf16.f32 v12;
	v15 =	vadd.f32 v15, v7  }
0x28e: {  	v23 =	vld [tilespmem:s25+$0x20];
	v7 =	vunpack.i.u.bf16.f32 v12;
	v12 =	vunpack.i.u.bf16.f32 v11;
	v11 =	vunpack.i.l.bf16.f32 v11  }
0x28f: {  	v24 =	vmul.bf16 v56, v27;
	v16 =	vmul.bf16 v25, v16;
	v12 =	vadd.f32 v11, v12;
	v11 =	vld [tilespmem:s26+$0x50]  }
0x290: {  	v19 =	vadd.f32 v19, v58;
	v9 =	vmul.bf16 v9, v17;
	v17 =	vadd.f32 v18, v7;
	v18 =	vld [tilespmem:s26+$0x30]  }
0x291: {  	v21 =	vld [tilespmem:s25+$0x60];
	v10 =	vadd.f32 v57, v10;
	v7 =	vunpack.i.u.bf16.f32 v16;
	v16 =	vunpack.i.l.bf16.f32 v16  }
0x292: {  	s18 =	simm.s32 $0x6;
	v61 =	vunpack.i.u.bf16.f32 v9;
	v9 =	vunpack.i.l.bf16.f32 v9;
	v14 =	vadd.f32 v17, v14;
	v17 =	vld [tilespmem:s26+$0x40]  }
0x293: {  	s6 =	sadd.s32 $0x100, s25;
	v16 =	vadd.f32 v16, v7;
	v7 =	vmov s18;
	v15 =	vadd.f32 v19, v15;
	v19 =	vld [tilespmem:s26+$0x60]  }
0x294: {  	v62 =	vld [tilespmem:s6+$0xFFFFFFE0];
	v20 =	vmul.bf16 v23, v20;
	v13 =	vadd.f32 v13, v14;
	v14 =	vadd.f32 v9, v61  }
0x295: {  	v23 =	vadd.f32 v16, v15;
	v9 =	vld [tilespmem:s6+$0x10];
	v22 =	vmul.bf16 v22, v11;
	v15 =	vmul.bf16 v59, v18  }
0x296: {  	v11 =	vld [tilespmem:s6+$0x0];
	v18 =	vadd.f32 v12, v13;
	v25 =	vadd.f32 v14, v10;
	v10 =	vunpack.i.u.bf16.f32 v20  }
0x297: {  	v12 =	vld [tilespmem:s6+$0xFFFFFFF0];
	v13 =	vunpack.i.u.bf16.f32 v15;
	v14 =	vunpack.i.l.bf16.f32 v15;
	v15 =	vmul.bf16 v60, v17  }
0x298: {  	v19 =	vmul.bf16 v21, v19;
	v16 =	vunpack.i.u.bf16.f32 v22;
	v17 =	vunpack.i.l.bf16.f32 v22;
	v22 =	vld [tilespmem:s10+$0xFFFFFFE0];
	(xrf2) =	vadd.scan.msk.f32 $0xffff, v18  }
0x299: {  	v14 =	vadd.f32 v14, v13;
	v13 =	vld [tilespmem:s6+$0xFFFFFFD0];
	v21 =	vunpack.i.u.bf16.f32 v15;
	v26 =	vunpack.i.l.bf16.f32 v15  }
0x29a: {  	v20 =	vunpack.i.l.bf16.f32 v20;
	v17 =	vadd.f32 v17, v16;
	v16 =	vld [tilespmem:s6+$0xFFFFFFC0];
	v21 =	vadd.f32 v26, v21  }
0x29b: {  	s29 =	simm.s32 $0x7;
	v20 =	vadd.f32 v20, v10;
	v63 =	vunpack.i.u.bf16.f32 v19;
	v19 =	vunpack.i.l.bf16.f32 v19;
	v18 =	vld [tilespmem:s6+$0xFFFFFF90];
	(xrf2) =	vadd.scan.msk.f32 $0xffff, v23  }
0x29c: {  	v10 =	vmov s29;
	v15 =	vld [tilespmem:s10+$0xFFFFFFD0];
	v26 =	vadd.f32 v19, v63;
	v28 =	vadd.f32 v17, v21  }
0x29d: {  	s28 =	simm.s32 $0x4;
	v19 =	vadd.f32 v20, v25;
	v17 =	vld [tilespmem:s10+$0xFFFFFFC0];
	v21 =	vunpack.i.l.bf16.f32 v24;
	v24 =	vunpack.i.u.bf16.f32 v24  }
0x29e: {  	s8 =	smov.u32 s10;
	s7 =	simm.s32 $0x0;
	s9 =	simm.s32 $0x8;
	v20 =	vld [tilespmem:s10+$0xFFFFFF90];
	v22 =	vmul.bf16 v62, v22;
	v21 =	vadd.f32 v21, v24;
	v23 =	vadd.f32 v26, v28  }
.LBB2_20:
0x29f: {  	p1 =	slt.u32 s9, $0xC  }
0x2a0: {  	v24 =	vld [tilespmem:s6+$0xFFFFFF80];
	s10 =	sadd.s32 $0x100, s10;
	vm1 =	veq.s32 v4, v0;
	vm0 =	veq.s32 v3, v0;
	v4 =	vmovc v7;
	v3 =	vmov v10;
	s11 =	smov.u32 s9;
	s9 =	sadd.s32 $0x4, s9  }
0x2a1: {  	v7 =	vld [tilespmem:s10+$0xFFFFFF80];
	s18 =	sadd.s32 $0x1, s11;
	v10 =	vunpack.i.u.bf16.f32 v22;
	v22 =	vunpack.i.l.bf16.f32 v22;
	v21 =	vadd.f32 v21, v23  }
0x2a2: {  	v14 =	vadd.f32 v14, v19;
	v23 =	vmov s18;
	v25 =	vld [tilespmem:s8+$0xFFFFFFA0];
	v16 =	vmul.bf16 v16, v17;
	v17, _, _ =	vpop (xrf2)  }
0x2a3: {  	v13 =	vmul.bf16 v13, v15;
	vm2 =	veq.s32 v5, v0;
	v10 =	vadd.f32 v22, v10;
	v19 =	vld [tilespmem:s6+$0xFFFFFFA0];
	(xrf2) =	vadd.scan.msk.f32 $0xffff, v21  }
0x2a4: {  	v5 =	vmovc v2;
	v21 =	vmov s7;
	v2 =	vmovc v23;
	s7 =	smov.u32 s28;
	s28 =	smov.u32 s11;
	v15 =	vmul.bf16 v18, v20;
	v18 =	vunpack.i.u.bf16.f32 v16;
	v20 =	vld [tilespmem:s8+$0xFFFFFFF0]  }
0x2a5: {  	v17 =	vbroadcast v17, $0xF;
	v16 =	vunpack.i.l.bf16.f32 v16;
	v22 =	vmul.bf16 v24, v8;
	v23 =	vld [tilespmem:s8+$0x0];
	v8, _, _ =	vpop (xrf2)  }
0x2a6: {  	v24 =	vunpack.i.u.bf16.f32 v15;
	v15 =	vunpack.i.l.bf16.f32 v15;
	v26 =	vld [tilespmem:s6+$0xFFFFFFB0];
	v27 =	vbroadcast v8, $0xF;
	(xrf2) =	vadd.scan.msk.f32 $0xffff, v14;
	v8 =	vmovc v7  }
0x2a7: {  	vm3 =	veq.s32 v21, v0;
	v7 =	vunpack.i.u.bf16.f32 v22;
	v14 =	vadd.f32 v15, v24;
	v15 =	vld [tilespmem:s8+$0xFFFFFFB0]  }
0x2a8: {  	v16 =	vadd.f32 v16, v18;
	v21 =	vunpack.i.l.bf16.f32 v22;
	v18 =	vld [tilespmem:s8+$0x10];
	v6 =	vsel vm3, v27, v6  }
0x2a9: {  	s11 =	sadd.s32 $0x2, s28;
	v21 =	vadd.f32 v21, v7;
	v12 =	vmul.bf16 v12, v20;
	v20 =	vld [tilespmem:s6+$0x70];
	v6 =	vsel vm2, v17, v6  }
0x2aa: {  	v7 =	vmov s11;
	v17 =	vunpack.i.l.bf16.f32 v13;
	v11 =	vmul.bf16 v11, v23;
	v22 =	vld [tilespmem:s8+$0x70]  }
0x2ab: {  	v13 =	vunpack.i.u.bf16.f32 v13;
	v14 =	vadd.f32 v14, v21;
	v27 =	vunpack.i.u.bf16.f32 v12;
	v23 =	vld [tilespmem:s6+$0x60]  }
0x2ac: {  	v19 =	vmul.bf16 v19, v25;
	v12 =	vunpack.i.l.bf16.f32 v12;
	v24 =	vunpack.i.l.bf16.f32 v11;
	v25 =	vld [tilespmem:s6+$0x50]  }
0x2ad: {  	v15 =	vmul.bf16 v26, v15;
	v12 =	vadd.f32 v12, v27;
	v9 =	vmul.bf16 v9, v18;
	v18 =	vld [tilespmem:s6+$0x20];
	v21, _, _ =	vpop (xrf2)  }
0x2ae: {  	v13 =	vadd.f32 v17, v13;
	v11 =	vunpack.i.u.bf16.f32 v11;
	v17 =	vld [tilespmem:s8+$0x20];
	v21 =	vbroadcast v21, $0xF  }
0x2af: {  	v26 =	vunpack.i.u.bf16.f32 v15;
	v15 =	vunpack.i.l.bf16.f32 v15;
	v27 =	vld [tilespmem:s8+$0x50];
	v20 =	vmul.bf16 v20, v22  }
0x2b0: {  	v22 =	vunpack.i.u.bf16.f32 v19;
	v19 =	vunpack.i.l.bf16.f32 v19;
	v15 =	vadd.f32 v15, v26;
	v26 =	vld [tilespmem:s8+$0x30];
	v28, _, _ =	vpop (xrf2)  }
0x2b1: {  	v13 =	vadd.f32 v13, v16;
	v19 =	vadd.f32 v19, v22;
	v16 =	vld [tilespmem:s6+$0x30];
	v22 =	vbroadcast v28, $0xF  }
0x2b2: {  	v24 =	vadd.f32 v24, v11;
	v11 =	vunpack.i.u.bf16.f32 v9;
	v9 =	vunpack.i.l.bf16.f32 v9;
	v28 =	vld [tilespmem:s6+$0x40]  }
0x2b3: {  	v10 =	vadd.f32 v10, v13;
	v14 =	vadd.f32 v19, v14;
	v13 =	vld [tilespmem:s8+$0x40];
	v6 =	vsel vm1, v22, v6  }
0x2b4: {  	v19 =	vadd.f32 v9, v11;
	s6 =	sadd.s32 $0x100, s6;
	v22 =	vmul.bf16 v25, v27;
	v25 =	vld [tilespmem:s8+$0x60];
	v6 =	vsel vm0, v21, v6;
	s8 =	smov.u32 s10  }
0x2b5: {  	s11 =	sadd.s32 $0x3, s28;
	v21 =	vadd.f32 v15, v14;
	v14 =	vadd.f32 v12, v10;
	v15 =	vmul.bf16 v18, v17;
	v9 =	vld [tilespmem:s6+$0x10]  }
0x2b6: {  	v10 =	vmov s11;
	v19 =	vadd.f32 v19, v24;
	v11 =	vld [tilespmem:s6+$0x0];
	v16 =	vmul.bf16 v16, v26  }
0x2b7: {  	v17 =	vunpack.i.u.bf16.f32 v15;
	v18 =	vunpack.i.u.bf16.f32 v22;
	v22 =	vunpack.i.l.bf16.f32 v22;
	v12 =	vld [tilespmem:s6+$0xFFFFFFF0]  }
0x2b8: {  	v24 =	vld [tilespmem:s6+$0xFFFFFFE0];
	v26 =	vunpack.i.u.bf16.f32 v16;
	v16 =	vunpack.i.l.bf16.f32 v16;
	v27 =	vmul.bf16 v28, v13;
	(xrf2) =	vadd.scan.msk.f32 $0xffff, v14  }
0x2b9: {  	v29 =	vunpack.i.l.bf16.f32 v15;
	v28 =	vld [tilespmem:s10+$0xFFFFFFE0];
	v14 =	vadd.f32 v16, v26;
	v23 =	vmul.bf16 v23, v25  }
0x2ba: {  	v18 =	vadd.f32 v22, v18;
	v13 =	vld [tilespmem:s6+$0xFFFFFFD0];
	v16 =	vunpack.i.u.bf16.f32 v27;
	v25 =	vunpack.i.l.bf16.f32 v27  }
.Ltmp8:
0x2bb: {  	v22 =	vadd.f32 v29, v17;
	v15 =	vld [tilespmem:s10+$0xFFFFFFD0];
	v25 =	vadd.f32 v25, v16;
	v26 =	vunpack.i.u.bf16.f32 v23;
	(xrf2) =	vadd.scan.msk.f32 $0xffff, v21;
	(pc) =	sbr.rel @p1 .LBB2_20-.Ltmp8, $4  }
0x2bc: {  	v21 =	vunpack.i.l.bf16.f32 v23;
	v23 =	vunpack.i.l.bf16.f32 v20;
	v16 =	vld [tilespmem:s6+$0xFFFFFFC0]  }
0x2bd: {  	v20 =	vunpack.i.u.bf16.f32 v20;
	v26 =	vadd.f32 v21, v26;
	v17 =	vld [tilespmem:s10+$0xFFFFFFC0];
	v25 =	vadd.f32 v18, v25  }
0x2be: {  	v19 =	vadd.f32 v22, v19;
	v21 =	vadd.f32 v23, v20;
	v18 =	vld [tilespmem:s6+$0xFFFFFF90]  }
0x2bf: {  	v22 =	vmul.bf16 v24, v28;
	v20 =	vld [tilespmem:s10+$0xFFFFFF90];
	v23 =	vadd.f32 v26, v25  }
0x2c0: {  	v24 =	vld [tilespmem:s6+$0xFFFFFF80]  }
0x2c1: {  	v25 =	vld [tilespmem:s8+$0xFFFFFFA0]  }
0x2c2: {  	v26 =	vld [tilespmem:s6+$0xFFFFFFA0]  }
0x2c3: {  	v27 =	vld [tilespmem:s8+$0xFFFFFFF0]  }
0x2c4: {  	v28 =	vld [tilespmem:s8+$0x0]  }
0x2c5: {  	v30 =	vld [tilespmem:s6+$0xFFFFFFB0]  }
0x2c6: {  	v42 =	vld [tilespmem:s8+$0xFFFFFFB0]  }
0x2c7: {  	v43 =	vld [tilespmem:s8+$0x10]  }
0x2c8: {  	v49 =	vld [tilespmem:s6+$0x60]  }
0x2c9: {  	v50 =	vld [tilespmem:s6+$0x50]  }
0x2ca: {  	v52 =	vld [tilespmem:s6+$0x20]  }
0x2cb: {  	v54 =	vld [tilespmem:s8+$0x20]  }
0x2cc: {  	v55 =	vld [tilespmem:s8+$0x50]  }
0x2cd: {  	v14 =	vadd.f32 v14, v19;
	v13 =	vmul.bf16 v13, v15;
	v57 =	vld [tilespmem:s8+$0x30]  }
0x2ce: {  	v60 =	vld [tilespmem:s6+$0x40];
	v29 =	vunpack.i.u.bf16.f32 v22;
	v41 =	vunpack.i.l.bf16.f32 v22;
	v21 =	vadd.f32 v21, v23  }
0x2cf: {  	v62 =	vld [tilespmem:s8+$0x40];
	v16 =	vmul.bf16 v16, v17;
	v22 =	vadd.f32 v41, v29;
	v51 =	vunpack.i.l.bf16.f32 v13  }
0x2d0: {  	v63 =	vld [tilespmem:s6+$0x30];
	v13 =	vunpack.i.u.bf16.f32 v13;
	v18 =	vmul.bf16 v18, v20;
	v8 =	vmul.bf16 v24, v8  }
0x2d1: {  	v32 =	vld [tilespmem:s8+$0x60];
	v13 =	vadd.f32 v51, v13;
	v12 =	vmul.bf16 v12, v27;
	v11 =	vmul.bf16 v11, v28  }
0x2d2: {  	v48 =	vunpack.i.u.bf16.f32 v16;
	v25 =	vmul.bf16 v26, v25;
	v20 =	vmul.bf16 v30, v42  }
0x2d3: {  	v16 =	vunpack.i.l.bf16.f32 v16;
	v9 =	vmul.bf16 v9, v43;
	v33 =	vmul.bf16 v50, v55  }
0x2d4: {  	v16 =	vadd.f32 v16, v48;
	v34 =	vmul.bf16 v52, v54;
	v35 =	vmul.bf16 v60, v62  }
0x2d5: {  	v45 =	vld [tilespmem:s6+$0x70];
	v36 =	vmul.bf16 v63, v57;
	v44 =	vunpack.i.u.bf16.f32 v18;
	v18 =	vunpack.i.l.bf16.f32 v18  }
0x2d6: {  	v47 =	vld [tilespmem:s8+$0x70];
	v38 =	vmul.bf16 v49, v32;
	v46 =	vunpack.i.u.bf16.f32 v8;
	v15 =	vadd.f32 v18, v44  }
0x2d7: {  	v8 =	vunpack.i.l.bf16.f32 v8;
	v53 =	vunpack.i.u.bf16.f32 v12;
	v12 =	vunpack.i.l.bf16.f32 v12  }
0x2d8: {  	v56 =	vunpack.i.u.bf16.f32 v25;
	v25 =	vunpack.i.l.bf16.f32 v25;
	v58 =	vunpack.i.l.bf16.f32 v11  }
0x2d9: {  	v61 =	vunpack.i.u.bf16.f32 v20;
	v20 =	vunpack.i.l.bf16.f32 v20;
	v13 =	vadd.f32 v13, v16  }
0x2da: {  	v11 =	vunpack.i.u.bf16.f32 v11;
	v31 =	vunpack.i.u.bf16.f32 v9;
	v9 =	vunpack.i.l.bf16.f32 v9  }
0x2db: {  	v18 =	vmul.bf16 v45, v47;
	v37 =	vunpack.i.u.bf16.f32 v33;
	v17 =	vunpack.i.l.bf16.f32 v33  }
0x2dc: {  	v39 =	vunpack.i.u.bf16.f32 v35;
	v8 =	vadd.f32 v8, v46;
	v12 =	vadd.f32 v12, v53  }
0x2dd: {  	v42 =	vunpack.i.u.bf16.f32 v38;
	v59 =	vadd.f32 v25, v56;
	v20 =	vadd.f32 v20, v61  }
0x2de: {  	v19 =	vunpack.i.l.bf16.f32 v38;
	v11 =	vadd.f32 v58, v11;
	v9 =	vadd.f32 v9, v31  }
0x2df: {  	v40 =	vunpack.i.u.bf16.f32 v34;
	v16 =	vadd.f32 v17, v37;
	v43 =	vadd.f32 v19, v42  }
0x2e0: {  	v13 =	vadd.f32 v22, v13;
	v9 =	vadd.f32 v9, v11;
	v11 =	vunpack.i.l.bf16.f32 v35  }
0x2e1: {  	v44 =	vunpack.i.l.bf16.f32 v18;
	v18 =	vunpack.i.u.bf16.f32 v18;
	v11 =	vadd.f32 v11, v39  }
0x2e2: {  	v41 =	vunpack.i.u.bf16.f32 v36;
	v8 =	vadd.f32 v15, v8;
	v18 =	vadd.f32 v44, v18  }
0x2e3: {  	v12 =	vadd.f32 v12, v13;
	v13 =	vunpack.i.l.bf16.f32 v34;
	v11 =	vadd.f32 v16, v11  }
0x2e4: {  	v15 =	vunpack.i.l.bf16.f32 v36;
	v8 =	vadd.f32 v59, v8;
	v13 =	vadd.f32 v13, v40  }
0x2e5: {  	(xrf2) =	vadd.scan.msk.f32 $0xffff, v21;
	v45 =	vadd.f32 v15, v41;
	v11 =	vadd.f32 v43, v11  }
0x2e6: {  	(xrf2) =	vadd.scan.msk.f32 $0xffff, v14;
	v8 =	vadd.f32 v20, v8;
	v9 =	vadd.f32 v13, v9  }
0x2e7: {  	(xrf2) =	vadd.scan.msk.f32 $0xffff, v12;
	v11 =	vadd.f32 v18, v11  }
0x2e8: {  	(xrf2) =	vadd.scan.msk.f32 $0xffff, v8;
	v46 =	vadd.f32 v45, v9  }
0x2e9: {  	(xrf2) =	vadd.scan.msk.f32 $0xffff, v11  }
0x2ea: {  	(xrf2) =	vadd.scan.msk.f32 $0xffff, v46;
	_ =	sdelay $0x2  }
0x2eb: {  	v47, _, _ =	vpop (xrf2)  }
0x2ec: {  	v48, _, _ =	vpop (xrf2)  }
0x2ed: {  	v50 =	vmov s7;
	v49, _, _ =	vpop (xrf2);
	v9 =	vbroadcast v48, $0xF  }
0x2ee: {  	vm0 =	veq.s32 v4, v0;
	vm1 =	veq.s32 v50, v0;
	v52 =	vbroadcast v47, $0xF;
	v51, _, _ =	vpop (xrf2)  }
0x2ef: {  	vm2 =	veq.s32 v5, v0;
	v55 =	vbroadcast v51, $0xF;
	v54 =	vsel vm1, v9, v6;
	v53, _, _ =	vpop (xrf2)  }
0x2f0: {  	vm11 =	veq.s32 v3, v0;
	v57 =	vbroadcast v49, $0xF;
	v3 =	vsel vm2, v52, v54;
	v56, _, _ =	vpop (xrf2)  }
0x2f1: {  	s29 =	sshll.u32 s24, $0x4;
	s24 =	sadd.s32 $0x1, s24;
	v58 =	vmov s28;
	v3 =	vsel vm0, v55, v3;
	v59 =	vbroadcast v56, $0xF;
	v60, _, _ =	vpop (xrf2)  }
0x2f2: {  	p1 =	sne.s32 s24, $0x5;
	vm12 =	veq.s32 v58, v0;
	v3 =	vsel vm11, v57, v3;
	v61 =	vbroadcast v53, $0xF;
	v62, _, _ =	vpop (xrf2)  }
.Ltmp9:
0x2f3: {  	vm13 =	veq.s32 v2, v0;
	v2 =	vsel vm12, v59, v3;
	v3 =	vbroadcast v62, $0xF;
	(pc) =	sbr.rel @p1 .LBB2_19-.Ltmp9, $4  }
0x2f4: {  	vm14 =	veq.s32 v7, v0;
	v2 =	vsel vm13, v61, v2;
	v63 =	vbroadcast v60, $0xF  }
0x2f5: {  	vm15 =	veq.s32 v10, v0;
	v2 =	vsel vm14, v3, v2  }
0x2f6: {  	s6 =	sand.u32 $0x3FFFFFF0, s29;
	v2 =	vsel vm15, v63, v2  }
0x2f7: {  	s25 =	sadd.s32 $0x400, s25;
	s26 =	sadd.s32 $0x400, s26;
	[tilespmem:v1+s6+$0x0 ss:$0x1] =	vst.idx.msk $0xffff, v2  }
0x2f8: {  	s6 =	sadd.s32 @!p0 $0x2D0, s21;
	s7 =	simm.s32 @!p0 $0x50;
	s8 =	simm.s32 @!p0 $0x9E20  }
0x2f9: {  	[tilespmem:s8], [sflag:$0x5] =	stream.indirect.gather @!p0 [hbm4b:s5+s7], $0x40, s6, s7, $0xb8;
	[tilespmem:$0x11940] =	vst v63  }
0x2fa: {  	s20 =	sadd.s32 $0x1, s20;
	s6 =	sadd.s32 @!p0 $0x29E0, s21;
	s8 =	simm.s32 @!p0 $0x10220  }
0x2fb: {  	[tilespmem:s8], [sflag:$0xA] =	stream.indirect.gather @!p0 [hbm4b:s5+s7], $0x40, s6, s7, $0xb8;
	[tilespmem:$0x11940] =	vst v63  }
0x2fc: {  	p0 =	sne.s32 s20, $0x19  }
.Ltmp10:
0x2fd: {  	_ = 	snop;
	(pc) =	sbr.rel @p0 .LBB2_2-.Ltmp10, $4  }
0x2fe: {  	_ = 	snop  }
0x2ff: {  	s29 =	sshrl.u32 s22, $0x3  }
0x300: {  	s6 =	sadd.s32 s2, s29  }
0x301: {  	[hbm4b:s6+s3] =	stream.linear.scatter [tilespmem:s23], [sflag:$0xB], $0x190, $0x38;
	[tilespmem:$0x11940] =	vst v63  }
0x302: {  	s7 =	simm.s32 $0xB  }
0x303: {  	_ =	swait.ge [sflag:s7], $0x190  }
0x304: {  	[sflag:s7] =	ssyncset.done $0x0  }
0x305: {  	[sflag:s7] =	ssyncadd.s32 $0xFFFFFE70  }
0x306: {  	_ =	swait.ge [sflag:s7], $0x190  }
0x307: {  	s19 =	sadd.s32 $0x1, s19;
	s6 =	rddreg [dreg:$0x7]  }
0x308: {  	p0 =	sne.s32 s19, s6  }
.Ltmp11:
0x309: {  	_ = 	snop;
	(pc) =	sbr.rel @p0 .LBB2_1-.Ltmp11, $3  }
0x30a: {  	_ =	sdelay $0x1  }
0x30b: {  	[sflag:s7] =	ssyncset.done $0x0  }
0x30c: {  	[sflag:s7] =	ssyncadd.s32 $0xFFFFFE70  }
0x30d: {  	_ =	sfence.sel $0x180000  }
0x30e: {  	[bflag:$0x0] =	sbarrier.arrive $0xFFFF  }
0x30f: {  	_ =	strace $0x90000047  }
0x310: {  	s0 =	stileid.u32;
	[bflag:$0x2] =	sbarrier.arrive $0xFFFF  }
0x311: {  	p0 =	sne.s32 s0, $0x0;
	s0 =	rddreg [dreg:$0x4]  }
0x312: {  	s0 =	sadd.s32 @!p0 $0x100000, s0  }
0x313: {  	[sflag:s0] =	ssyncadd.tile.s32 @!p0 $0x1;
	_ =	shalt  }
.Lfunc_end2:
_tile_overlayer_lowered:
.L_overlay_start_2:
0x314: {  	(tag) =	ssettag $0x2  }
0x315: {  	s0 =	rddreg [dreg:$0x0];
	s2 =	stileid.u32  }
0x316: {  	s1 =	rddreg [dreg:$0x1];
	p0 =	sne.s32 s2, $0x0  }
0x317: {  	s3 =	rddreg [dreg:$0x2];
	[bflag:$0x3] =	sbarrier.arrive $0xFFFF;
	s2 =	simm.s32 @!p0 $0x1C0C  }
0x318: {  	[timem:s3], [sflag:s2] =	dma.local @!p0 [hbm:s0], s1  }
0x319: {  	s0 =	simm.s32 @!p0 $0xC  }
0x31a: {  	_ =	swait.ge @!p0 [sflag:s0], s1  }
0x31b: {  	s1 =	ssub.s32 @!p0 $0x0, s1;
	[sflag:s0] =	ssyncset.done @!p0 $0x0  }
0x31c: {  	[sflag:s0] =	ssyncadd.s32 @!p0 s1  }
0x31d: {  	[bflag:$0x3] =	sbarrier.arrive $0xFFFF  }
0x31e: {  	_ =	shalt  }

</sc_bundles>
